<compile_context>
chip_gen: v7x
topology: tpu7x:2x2x1
jax: 0.10.2.dev20260603
libtpu: 0.0.44.dev20260713+nightly
codegen_flags: <defaults>
</compile_context>

<pallas_src>
import jax
import jax.numpy as jnp
from jax import lax
from jax.experimental import pallas as pl
from jax.experimental.pallas import tpu as pltpu
from jax.experimental.pallas import tpu_sc as plsc

N_ROWS = 320000
N_COLS = 128
N_SEG = 10000
SUB = 128
BLK = 640
NSUB = BLK // SUB
N_BLKS = N_ROWS // BLK
NC = 2
NS = 16
HALF = N_COLS // NC
NBUF = 2
ITERS = 32
OUT_ROWS_PER_TILE = N_SEG // NS


def kernel(x, batch):
    idx3 = batch.astype(jnp.int32).reshape(N_BLKS, NSUB, SUB)
    zeros_blk = jnp.zeros((OUT_ROWS_PER_TILE, HALF), jnp.float32)

    mesh = plsc.VectorSubcoreMesh(core_axis_name="c", subcore_axis_name="s")

    @pl.kernel(
        out_type=jax.ShapeDtypeStruct((N_SEG, N_COLS), jnp.float32),
        mesh=mesh,
        compiler_params=pltpu.CompilerParams(use_tc_tiling_on_sc=False),
        scratch_types=[
            pltpu.VMEM_SHARED((N_SEG, HALF), jnp.float32),
            pltpu.VMEM((NBUF, BLK, HALF), jnp.float32),
            pltpu.VMEM((NBUF, NSUB, SUB), jnp.int32),
            pltpu.SemaphoreType.DMA,
            pltpu.SemaphoreType.DMA,
            pltpu.SemaphoreType.DMA,
        ],
    )
    def seg_sum(x_hbm, idx_hbm, z_hbm, out_hbm, acc, rows_v, idx_v,
                sem0, sem1, sem_sc):
        c = lax.axis_index("c")
        s = lax.axis_index("s")
        sems = (sem0, sem1)

        def copies(i, b):
            cid = i * NS + s
            return (
                cid < N_BLKS,
                pltpu.make_async_copy(idx_hbm.at[cid], idx_v.at[b], sems[b]),
                pltpu.make_async_copy(
                    x_hbm.at[pl.ds(cid * BLK, BLK), pl.ds(c * HALF, HALF)],
                    rows_v.at[b], sems[b]),
            )

        def issue(i, b):
            live, cp_i, cp_r = copies(i, b)

            @pl.when(live)
            def _():
                cp_i.start()
                cp_r.start()

        def fire_scatters(i, b):
            live, cp_i, cp_r = copies(i, b)

            @pl.when(live)
            def _():
                cp_i.wait()
                cp_r.wait()
                for j in range(NSUB):
                    pltpu.async_copy(rows_v.at[b, pl.ds(j * SUB, SUB)],
                                     acc.at[idx_v.at[b, j]], sem_sc, add=True)

        def drain_scatters(i, b):
            cid = i * NS + s

            @pl.when((i >= 0) & (cid < N_BLKS))
            def _():
                for j in range(NSUB):
                    pltpu.make_async_copy(
                        rows_v.at[b, pl.ds(j * SUB, SUB)],
                        acc.at[idx_v.at[b, j]], sem_sc).wait()

        issue(0, 0)
        pltpu.sync_copy(
            z_hbm, acc.at[pl.ds(s * OUT_ROWS_PER_TILE, OUT_ROWS_PER_TILE)])
        plsc.subcore_barrier()

        @pl.loop(0, ITERS, step=NBUF)
        def _(i0):
            for b in range(NBUF):
                drain_scatters(i0 + b - 1, 1 - b)
                issue(i0 + b + 1, 1 - b)
                fire_scatters(i0 + b, b)

        drain_scatters(ITERS - 1, (ITERS - 1) % NBUF)
        plsc.subcore_barrier()
        pltpu.sync_copy(
            acc.at[pl.ds(s * OUT_ROWS_PER_TILE, OUT_ROWS_PER_TILE)],
            out_hbm.at[pl.ds(s * OUT_ROWS_PER_TILE, OUT_ROWS_PER_TILE),
                       pl.ds(c * HALF, HALF)])

    return seg_sum(x, idx3, zeros_blk)

# --- scband reference (transcript-rebuilt; emitter-appended) ---
"""Pipeline reference for scband-global-pool-47863115547055 (READ-ONLY COPY).

The authoritative reference and input builder live on the scoring server;
editing this copy changes nothing except your own understanding.
"""

import jax, jax.numpy as jnp
import numpy as np

NUM_SEGMENTS = 10000

def setup_inputs(seed: int = 0) -> dict:
    key = jax.random.key(seed)
    k1, k2 = jax.random.split(key)
    x = jax.random.normal(k1, (320000, 128), dtype=jnp.float32)
    batch = jnp.sort(jax.random.randint(k2, (320000,), 0, NUM_SEGMENTS, dtype=jnp.int64))
    return {"x": x, "batch": batch}

def reference(x, batch):
    # GlobalPool(reduce='sum') with batch provided:
    # torch_scatter.scatter(x, batch, dim=0, reduce='sum')
    out = jax.ops.segment_sum(x, batch, num_segments=NUM_SEGMENTS)
    return out

if __name__ == "__main__":
    import jax
    _d = setup_inputs()
    print(jax.jit(kernel)(*tuple(_d.values())))

</pallas_src>

<mosaic_0001>
#map = affine_map<(d0, d1) -> (0, 0)>
#map1 = affine_map<(d0, d1) -> (0, 0, 0)>
module attributes {stable_mosaic.version = 14 : i64} {
  func.func @seg_sum(%arg0: i32, %arg1: i32, %arg2: memref<320000x128xf32, #tpu.memory_space<hbm>>, %arg3: memref<500x5x128xi32, #tpu.memory_space<hbm>>, %arg4: memref<625x64xf32, #tpu.memory_space<hbm>>, %arg5: memref<10000x128xf32, #tpu.memory_space<hbm>>, %arg6: memref<10000x64xf32, #tpu.memory_space<vmem_shared>>, %arg7: memref<2x640x64xf32, #tpu.memory_space<vmem>>, %arg8: memref<2x5x128xi32, #tpu.memory_space<vmem>>, %arg9: memref<!tpu.dma_semaphore, #tpu.memory_space<semaphore_mem>>, %arg10: memref<!tpu.dma_semaphore, #tpu.memory_space<semaphore_mem>>, %arg11: memref<!tpu.dma_semaphore, #tpu.memory_space<semaphore_mem>>) attributes {dimension_semantics = [#tpu.dimension_semantics<core_parallel>, #tpu.dimension_semantics<subcore_parallel>], iteration_bounds = array<i64: 2, 16>, scalar_prefetch = 0 : i64, scratch_operands = 6 : i64, tpu.core_type = #tpu.core_type<sc_vector_subcore>, window_params = [{transform_indices = #map}, {transform_indices = #map1}, {transform_indices = #map}, {transform_indices = #map}]} {
    %add3A = arith.constant 0 : i32
    %add3A_0 = arith.addi %add3A, %arg1 : i32
    %lt3A = arith.constant 500 : i32
    %lt3A_1 = arith.cmpi slt, %add3A_0, %lt3A : i32
    %mul3A = arith.constant 640 : i32
    %mul3A_2 = arith.muli %add3A_0, %mul3A : i32
    %mul3A_3 = arith.constant 64 : i32
    %mul3A_4 = arith.muli %arg0, %mul3A_3 : i32
    %convert_element_type3A = arith.extui %lt3A_1 : i1 to i32
    %cond3A = arith.constant 0 : i32
    %cond3A_5 = arith.constant 0 : i32
    %cond3A_6 = arith.constant 0 : i32
    %cond3A_7 = arith.cmpi ne, %convert_element_type3A, %cond3A_6 : i32
    scf.if %cond3A_7 {
      %dma_start3A = arith.constant 0 : i32
      %dma_start3A_29 = arith.constant 0 : i32
      %dma_start3A_30 = tpu.memref_slice %arg8[%cond3A, %dma_start3A, %dma_start3A_29] : memref<2x5x128xi32, #tpu.memory_space<vmem>> -> memref<1x5x128xi32, #tpu.memory_space<vmem>>
      %dma_start3A_31 = tpu.memref_squeeze %dma_start3A_30 : memref<1x5x128xi32, #tpu.memory_space<vmem>> -> memref<5x128xi32, #tpu.memory_space<vmem>>
      %dma_start3A_32 = arith.constant 0 : i32
      %dma_start3A_33 = arith.constant 0 : i32
      %dma_start3A_34 = tpu.memref_slice %arg3[%add3A_0, %dma_start3A_32, %dma_start3A_33] : memref<500x5x128xi32, #tpu.memory_space<hbm>> -> memref<1x5x128xi32, #tpu.memory_space<hbm>>
      %dma_start3A_35 = tpu.memref_squeeze %dma_start3A_34 : memref<1x5x128xi32, #tpu.memory_space<hbm>> -> memref<5x128xi32, #tpu.memory_space<hbm>>
      %dma_start3A_36 = arith.constant 0 : i32
      %dma_start3A_37 = arith.constant 0 : i32
      %dma_start3A_38 = tpu.memref_slice %arg8[%cond3A, %dma_start3A_36, %dma_start3A_37] : memref<2x5x128xi32, #tpu.memory_space<vmem>> -> memref<1x5x128xi32, #tpu.memory_space<vmem>>
      %dma_start3A_39 = tpu.memref_squeeze %dma_start3A_38 : memref<1x5x128xi32, #tpu.memory_space<vmem>> -> memref<5x128xi32, #tpu.memory_space<vmem>>
      %dma_start3A_40 = arith.constant 0 : i32
      %dma_start3A_41 = arith.constant 0 : i32
      %dma_start3A_42 = tpu.memref_slice %arg3[%add3A_0, %dma_start3A_40, %dma_start3A_41] : memref<500x5x128xi32, #tpu.memory_space<hbm>> -> memref<1x5x128xi32, #tpu.memory_space<hbm>>
      %dma_start3A_43 = tpu.memref_squeeze %dma_start3A_42 : memref<1x5x128xi32, #tpu.memory_space<hbm>> -> memref<5x128xi32, #tpu.memory_space<hbm>>
      tpu.enqueue_dma source(%dma_start3A_43 : memref<5x128xi32, #tpu.memory_space<hbm>>) target(%dma_start3A_39 : memref<5x128xi32, #tpu.memory_space<vmem>>) target_semaphore(%arg9 : memref<!tpu.dma_semaphore, #tpu.memory_space<semaphore_mem>>)
      %dma_start3A_44 = arith.constant 0 : i32
      %dma_start3A_45 = arith.constant 0 : i32
      %dma_start3A_46 = tpu.memref_slice %arg7[%cond3A_5, %dma_start3A_44, %dma_start3A_45] : memref<2x640x64xf32, #tpu.memory_space<vmem>> -> memref<1x640x64xf32, #tpu.memory_space<vmem>>
      %dma_start3A_47 = tpu.memref_squeeze %dma_start3A_46 : memref<1x640x64xf32, #tpu.memory_space<vmem>> -> memref<640x64xf32, #tpu.memory_space<vmem>>
      %dma_start3A_48 = tpu.memref_slice %arg2[%mul3A_2, %mul3A_4] : memref<320000x128xf32, #tpu.memory_space<hbm>> -> memref<640x64xf32, #tpu.memory_space<hbm>>
      %dma_start3A_49 = arith.constant 0 : i32
      %dma_start3A_50 = arith.constant 0 : i32
      %dma_start3A_51 = tpu.memref_slice %arg7[%cond3A_5, %dma_start3A_49, %dma_start3A_50] : memref<2x640x64xf32, #tpu.memory_space<vmem>> -> memref<1x640x64xf32, #tpu.memory_space<vmem>>
      %dma_start3A_52 = tpu.memref_squeeze %dma_start3A_51 : memref<1x640x64xf32, #tpu.memory_space<vmem>> -> memref<640x64xf32, #tpu.memory_space<vmem>>
      %dma_start3A_53 = tpu.memref_slice %arg2[%mul3A_2, %mul3A_4] : memref<320000x128xf32, #tpu.memory_space<hbm>> -> memref<640x64xf32, #tpu.memory_space<hbm>>
      tpu.enqueue_dma source(%dma_start3A_53 : memref<640x64xf32, #tpu.memory_space<hbm>>) target(%dma_start3A_52 : memref<640x64xf32, #tpu.memory_space<vmem>>) target_semaphore(%arg9 : memref<!tpu.dma_semaphore, #tpu.memory_space<semaphore_mem>>)
    } else {
    }
    %mul3A_8 = arith.constant 625 : i32
    %mul3A_9 = arith.muli %arg1, %mul3A_8 : i32
    "tpu.region"() ({
      %run_scoped3A = tpu.sem_alloc : memref<!tpu.dma_semaphore, #tpu.memory_space<semaphore_mem>>
      %dma_start3A = arith.constant 0 : i32
      %dma_start3A_29 = tpu.memref_slice %arg6[%mul3A_9, %dma_start3A] : memref<10000x64xf32, #tpu.memory_space<vmem_shared>> -> memref<625x64xf32, #tpu.memory_space<vmem_shared>>
      tpu.enqueue_dma source(%arg4 : memref<625x64xf32, #tpu.memory_space<hbm>>) target(%dma_start3A_29 : memref<625x64xf32, #tpu.memory_space<vmem_shared>>) target_semaphore(%run_scoped3A : memref<!tpu.dma_semaphore, #tpu.memory_space<semaphore_mem>>)
      %dma_wait3A = arith.constant 0 : i32
      %dma_wait3A_30 = tpu.memref_slice %arg6[%mul3A_9, %dma_wait3A] : memref<10000x64xf32, #tpu.memory_space<vmem_shared>> -> memref<625x64xf32, #tpu.memory_space<vmem_shared>>
      tpu.wait_dma2 semaphore(%run_scoped3A : memref<!tpu.dma_semaphore, #tpu.memory_space<semaphore_mem>>) src(%arg4 : memref<625x64xf32, #tpu.memory_space<hbm>>) dst(%dma_wait3A_30 : memref<625x64xf32, #tpu.memory_space<vmem_shared>>)
      tpu.yield
    }) : () -> ()
    %barrier3A = arith.constant 0 : index
    tpu.barrier barrier_id(%barrier3A)
    %scan3A = arith.constant 0 : i32
    %scan3A_10 = arith.constant 16 : i32
    %scan3A_11 = arith.addi %scan3A, %scan3A_10 : i32
    %scan3A_12 = arith.constant 1 : i32
    scf.for %scan3A_29 = %scan3A to %scan3A_11 step %scan3A_12  : i32 {
      %mul3A_30 = arith.constant 2 : i32
      %mul3A_31 = arith.muli %scan3A_29, %mul3A_30 : i32
      %add3A_32 = arith.constant 0 : i32
      %add3A_33 = arith.addi %add3A_32, %mul3A_31 : i32
      %add3A_34 = arith.constant 0 : i32
      %add3A_35 = arith.addi %add3A_33, %add3A_34 : i32
      %sub3A = arith.constant 1 : i32
      %sub3A_36 = arith.subi %add3A_35, %sub3A : i32
      %mul3A_37 = arith.constant 16 : i32
      %mul3A_38 = arith.muli %sub3A_36, %mul3A_37 : i32
      %add3A_39 = arith.addi %mul3A_38, %arg1 : i32
      %ge3A = arith.constant 0 : i32
      %ge3A_40 = arith.cmpi sge, %sub3A_36, %ge3A : i32
      %lt3A_41 = arith.constant 500 : i32
      %lt3A_42 = arith.cmpi slt, %add3A_39, %lt3A_41 : i32
      %and3A_43 = arith.andi %ge3A_40, %lt3A_42 : i1
      %convert_element_type3A_44 = arith.extui %and3A_43 : i1 to i32
      %cond3A_45 = arith.constant 0 : i32
      %cond3A_46 = arith.cmpi ne, %convert_element_type3A_44, %cond3A_45 : i32
      scf.if %cond3A_46 {
        %dma_wait3A = arith.constant 1 : i32
        %dma_wait3A_130 = arith.constant 1 : i32
        %dma_wait3A_131 = arith.constant 0 : i32
        %dma_wait3A_132 = arith.constant 0 : i32
        %dma_wait3A_133 = arith.constant 0 : i32
        %dma_wait3A_134 = tpu.memref_slice %arg7[%dma_wait3A, %dma_wait3A_132, %dma_wait3A_133] : memref<2x640x64xf32, #tpu.memory_space<vmem>> -> memref<1x128x64xf32, #tpu.memory_space<vmem>>
        %dma_wait3A_135 = tpu.memref_squeeze %dma_wait3A_134 : memref<1x128x64xf32, #tpu.memory_space<vmem>> -> memref<128x64xf32, #tpu.memory_space<vmem>>
        %dma_wait3A_136 = arith.constant 0 : i32
        %dma_wait3A_137 = tpu.memref_slice %arg8[%dma_wait3A_130, %dma_wait3A_131, %dma_wait3A_136] : memref<2x5x128xi32, #tpu.memory_space<vmem>> -> memref<1x1x128xi32, #tpu.memory_space<vmem>>
        %dma_wait3A_138 = tpu.memref_squeeze %dma_wait3A_137 : memref<1x1x128xi32, #tpu.memory_space<vmem>> -> memref<128xi32, #tpu.memory_space<vmem>>
        %dma_wait3A_139 = arith.constant 0 : i32
        %dma_wait3A_140 = arith.constant 0 : i32
        %dma_wait3A_141 = tpu.memref_slice %arg6[%dma_wait3A_139, %dma_wait3A_140] : memref<10000x64xf32, #tpu.memory_space<vmem_shared>> -> memref<10000x64xf32, #tpu.memory_space<vmem_shared>>
        tpu.wait_indirect_dma semaphore(%arg11 : memref<!tpu.dma_semaphore, #tpu.memory_space<semaphore_mem>>) src(%dma_wait3A_135 : memref<128x64xf32, #tpu.memory_space<vmem>>) dst(%dma_wait3A_141 : memref<10000x64xf32, #tpu.memory_space<vmem_shared>>)
        %dma_wait3A_142 = arith.constant 1 : i32
        %dma_wait3A_143 = arith.constant 1 : i32
        %dma_wait3A_144 = arith.constant 1 : i32
        %dma_wait3A_145 = arith.constant 128 : i32
        %dma_wait3A_146 = arith.constant 0 : i32
        %dma_wait3A_147 = tpu.memref_slice %arg7[%dma_wait3A_142, %dma_wait3A_145, %dma_wait3A_146] : memref<2x640x64xf32, #tpu.memory_space<vmem>> -> memref<1x128x64xf32, #tpu.memory_space<vmem>>
        %dma_wait3A_148 = tpu.memref_squeeze %dma_wait3A_147 : memref<1x128x64xf32, #tpu.memory_space<vmem>> -> memref<128x64xf32, #tpu.memory_space<vmem>>
        %dma_wait3A_149 = arith.constant 0 : i32
        %dma_wait3A_150 = tpu.memref_slice %arg8[%dma_wait3A_143, %dma_wait3A_144, %dma_wait3A_149] : memref<2x5x128xi32, #tpu.memory_space<vmem>> -> memref<1x1x128xi32, #tpu.memory_space<vmem>>
        %dma_wait3A_151 = tpu.memref_squeeze %dma_wait3A_150 : memref<1x1x128xi32, #tpu.memory_space<vmem>> -> memref<128xi32, #tpu.memory_space<vmem>>
        %dma_wait3A_152 = arith.constant 0 : i32
        %dma_wait3A_153 = arith.constant 0 : i32
        %dma_wait3A_154 = tpu.memref_slice %arg6[%dma_wait3A_152, %dma_wait3A_153] : memref<10000x64xf32, #tpu.memory_space<vmem_shared>> -> memref<10000x64xf32, #tpu.memory_space<vmem_shared>>
        tpu.wait_indirect_dma semaphore(%arg11 : memref<!tpu.dma_semaphore, #tpu.memory_space<semaphore_mem>>) src(%dma_wait3A_148 : memref<128x64xf32, #tpu.memory_space<vmem>>) dst(%dma_wait3A_154 : memref<10000x64xf32, #tpu.memory_space<vmem_shared>>)
        %dma_wait3A_155 = arith.constant 1 : i32
        %dma_wait3A_156 = arith.constant 1 : i32
        %dma_wait3A_157 = arith.constant 2 : i32
        %dma_wait3A_158 = arith.constant 256 : i32
        %dma_wait3A_159 = arith.constant 0 : i32
        %dma_wait3A_160 = tpu.memref_slice %arg7[%dma_wait3A_155, %dma_wait3A_158, %dma_wait3A_159] : memref<2x640x64xf32, #tpu.memory_space<vmem>> -> memref<1x128x64xf32, #tpu.memory_space<vmem>>
        %dma_wait3A_161 = tpu.memref_squeeze %dma_wait3A_160 : memref<1x128x64xf32, #tpu.memory_space<vmem>> -> memref<128x64xf32, #tpu.memory_space<vmem>>
        %dma_wait3A_162 = arith.constant 0 : i32
        %dma_wait3A_163 = tpu.memref_slice %arg8[%dma_wait3A_156, %dma_wait3A_157, %dma_wait3A_162] : memref<2x5x128xi32, #tpu.memory_space<vmem>> -> memref<1x1x128xi32, #tpu.memory_space<vmem>>
        %dma_wait3A_164 = tpu.memref_squeeze %dma_wait3A_163 : memref<1x1x128xi32, #tpu.memory_space<vmem>> -> memref<128xi32, #tpu.memory_space<vmem>>
        %dma_wait3A_165 = arith.constant 0 : i32
        %dma_wait3A_166 = arith.constant 0 : i32
        %dma_wait3A_167 = tpu.memref_slice %arg6[%dma_wait3A_165, %dma_wait3A_166] : memref<10000x64xf32, #tpu.memory_space<vmem_shared>> -> memref<10000x64xf32, #tpu.memory_space<vmem_shared>>
        tpu.wait_indirect_dma semaphore(%arg11 : memref<!tpu.dma_semaphore, #tpu.memory_space<semaphore_mem>>) src(%dma_wait3A_161 : memref<128x64xf32, #tpu.memory_space<vmem>>) dst(%dma_wait3A_167 : memref<10000x64xf32, #tpu.memory_space<vmem_shared>>)
        %dma_wait3A_168 = arith.constant 1 : i32
        %dma_wait3A_169 = arith.constant 1 : i32
        %dma_wait3A_170 = arith.constant 3 : i32
        %dma_wait3A_171 = arith.constant 384 : i32
        %dma_wait3A_172 = arith.constant 0 : i32
        %dma_wait3A_173 = tpu.memref_slice %arg7[%dma_wait3A_168, %dma_wait3A_171, %dma_wait3A_172] : memref<2x640x64xf32, #tpu.memory_space<vmem>> -> memref<1x128x64xf32, #tpu.memory_space<vmem>>
        %dma_wait3A_174 = tpu.memref_squeeze %dma_wait3A_173 : memref<1x128x64xf32, #tpu.memory_space<vmem>> -> memref<128x64xf32, #tpu.memory_space<vmem>>
        %dma_wait3A_175 = arith.constant 0 : i32
        %dma_wait3A_176 = tpu.memref_slice %arg8[%dma_wait3A_169, %dma_wait3A_170, %dma_wait3A_175] : memref<2x5x128xi32, #tpu.memory_space<vmem>> -> memref<1x1x128xi32, #tpu.memory_space<vmem>>
        %dma_wait3A_177 = tpu.memref_squeeze %dma_wait3A_176 : memref<1x1x128xi32, #tpu.memory_space<vmem>> -> memref<128xi32, #tpu.memory_space<vmem>>
        %dma_wait3A_178 = arith.constant 0 : i32
        %dma_wait3A_179 = arith.constant 0 : i32
        %dma_wait3A_180 = tpu.memref_slice %arg6[%dma_wait3A_178, %dma_wait3A_179] : memref<10000x64xf32, #tpu.memory_space<vmem_shared>> -> memref<10000x64xf32, #tpu.memory_space<vmem_shared>>
        tpu.wait_indirect_dma semaphore(%arg11 : memref<!tpu.dma_semaphore, #tpu.memory_space<semaphore_mem>>) src(%dma_wait3A_174 : memref<128x64xf32, #tpu.memory_space<vmem>>) dst(%dma_wait3A_180 : memref<10000x64xf32, #tpu.memory_space<vmem_shared>>)
        %dma_wait3A_181 = arith.constant 1 : i32
        %dma_wait3A_182 = arith.constant 1 : i32
        %dma_wait3A_183 = arith.constant 4 : i32
        %dma_wait3A_184 = arith.constant 512 : i32
        %dma_wait3A_185 = arith.constant 0 : i32
        %dma_wait3A_186 = tpu.memref_slice %arg7[%dma_wait3A_181, %dma_wait3A_184, %dma_wait3A_185] : memref<2x640x64xf32, #tpu.memory_space<vmem>> -> memref<1x128x64xf32, #tpu.memory_space<vmem>>
        %dma_wait3A_187 = tpu.memref_squeeze %dma_wait3A_186 : memref<1x128x64xf32, #tpu.memory_space<vmem>> -> memref<128x64xf32, #tpu.memory_space<vmem>>
        %dma_wait3A_188 = arith.constant 0 : i32
        %dma_wait3A_189 = tpu.memref_slice %arg8[%dma_wait3A_182, %dma_wait3A_183, %dma_wait3A_188] : memref<2x5x128xi32, #tpu.memory_space<vmem>> -> memref<1x1x128xi32, #tpu.memory_space<vmem>>
        %dma_wait3A_190 = tpu.memref_squeeze %dma_wait3A_189 : memref<1x1x128xi32, #tpu.memory_space<vmem>> -> memref<128xi32, #tpu.memory_space<vmem>>
        %dma_wait3A_191 = arith.constant 0 : i32
        %dma_wait3A_192 = arith.constant 0 : i32
        %dma_wait3A_193 = tpu.memref_slice %arg6[%dma_wait3A_191, %dma_wait3A_192] : memref<10000x64xf32, #tpu.memory_space<vmem_shared>> -> memref<10000x64xf32, #tpu.memory_space<vmem_shared>>
        tpu.wait_indirect_dma semaphore(%arg11 : memref<!tpu.dma_semaphore, #tpu.memory_space<semaphore_mem>>) src(%dma_wait3A_187 : memref<128x64xf32, #tpu.memory_space<vmem>>) dst(%dma_wait3A_193 : memref<10000x64xf32, #tpu.memory_space<vmem_shared>>)
      } else {
      }
      %add3A_47 = arith.constant 0 : i32
      %add3A_48 = arith.addi %add3A_33, %add3A_47 : i32
      %add3A_49 = arith.constant 1 : i32
      %add3A_50 = arith.addi %add3A_48, %add3A_49 : i32
      %mul3A_51 = arith.constant 16 : i32
      %mul3A_52 = arith.muli %add3A_50, %mul3A_51 : i32
      %add3A_53 = arith.addi %mul3A_52, %arg1 : i32
      %lt3A_54 = arith.constant 500 : i32
      %lt3A_55 = arith.cmpi slt, %add3A_53, %lt3A_54 : i32
      %mul3A_56 = arith.constant 640 : i32
      %mul3A_57 = arith.muli %add3A_53, %mul3A_56 : i32
      %mul3A_58 = arith.constant 64 : i32
      %mul3A_59 = arith.muli %arg0, %mul3A_58 : i32
      %convert_element_type3A_60 = arith.extui %lt3A_55 : i1 to i32
      %cond3A_61 = arith.constant 1 : i32
      %cond3A_62 = arith.constant 1 : i32
      %cond3A_63 = arith.constant 0 : i32
      %cond3A_64 = arith.cmpi ne, %convert_element_type3A_60, %cond3A_63 : i32
      scf.if %cond3A_64 {
        %dma_start3A = arith.constant 0 : i32
        %dma_start3A_130 = arith.constant 0 : i32
        %dma_start3A_131 = tpu.memref_slice %arg8[%cond3A_61, %dma_start3A, %dma_start3A_130] : memref<2x5x128xi32, #tpu.memory_space<vmem>> -> memref<1x5x128xi32, #tpu.memory_space<vmem>>
        %dma_start3A_132 = tpu.memref_squeeze %dma_start3A_131 : memref<1x5x128xi32, #tpu.memory_space<vmem>> -> memref<5x128xi32, #tpu.memory_space<vmem>>
        %dma_start3A_133 = arith.constant 0 : i32
        %dma_start3A_134 = arith.constant 0 : i32
        %dma_start3A_135 = tpu.memref_slice %arg3[%add3A_53, %dma_start3A_133, %dma_start3A_134] : memref<500x5x128xi32, #tpu.memory_space<hbm>> -> memref<1x5x128xi32, #tpu.memory_space<hbm>>
        %dma_start3A_136 = tpu.memref_squeeze %dma_start3A_135 : memref<1x5x128xi32, #tpu.memory_space<hbm>> -> memref<5x128xi32, #tpu.memory_space<hbm>>
        %dma_start3A_137 = arith.constant 0 : i32
        %dma_start3A_138 = arith.constant 0 : i32
        %dma_start3A_139 = tpu.memref_slice %arg8[%cond3A_61, %dma_start3A_137, %dma_start3A_138] : memref<2x5x128xi32, #tpu.memory_space<vmem>> -> memref<1x5x128xi32, #tpu.memory_space<vmem>>
        %dma_start3A_140 = tpu.memref_squeeze %dma_start3A_139 : memref<1x5x128xi32, #tpu.memory_space<vmem>> -> memref<5x128xi32, #tpu.memory_space<vmem>>
        %dma_start3A_141 = arith.constant 0 : i32
        %dma_start3A_142 = arith.constant 0 : i32
        %dma_start3A_143 = tpu.memref_slice %arg3[%add3A_53, %dma_start3A_141, %dma_start3A_142] : memref<500x5x128xi32, #tpu.memory_space<hbm>> -> memref<1x5x128xi32, #tpu.memory_space<hbm>>
        %dma_start3A_144 = tpu.memref_squeeze %dma_start3A_143 : memref<1x5x128xi32, #tpu.memory_space<hbm>> -> memref<5x128xi32, #tpu.memory_space<hbm>>
        tpu.enqueue_dma source(%dma_start3A_144 : memref<5x128xi32, #tpu.memory_space<hbm>>) target(%dma_start3A_140 : memref<5x128xi32, #tpu.memory_space<vmem>>) target_semaphore(%arg10 : memref<!tpu.dma_semaphore, #tpu.memory_space<semaphore_mem>>)
        %dma_start3A_145 = arith.constant 0 : i32
        %dma_start3A_146 = arith.constant 0 : i32
        %dma_start3A_147 = tpu.memref_slice %arg7[%cond3A_62, %dma_start3A_145, %dma_start3A_146] : memref<2x640x64xf32, #tpu.memory_space<vmem>> -> memref<1x640x64xf32, #tpu.memory_space<vmem>>
        %dma_start3A_148 = tpu.memref_squeeze %dma_start3A_147 : memref<1x640x64xf32, #tpu.memory_space<vmem>> -> memref<640x64xf32, #tpu.memory_space<vmem>>
        %dma_start3A_149 = tpu.memref_slice %arg2[%mul3A_57, %mul3A_59] : memref<320000x128xf32, #tpu.memory_space<hbm>> -> memref<640x64xf32, #tpu.memory_space<hbm>>
        %dma_start3A_150 = arith.constant 0 : i32
        %dma_start3A_151 = arith.constant 0 : i32
        %dma_start3A_152 = tpu.memref_slice %arg7[%cond3A_62, %dma_start3A_150, %dma_start3A_151] : memref<2x640x64xf32, #tpu.memory_space<vmem>> -> memref<1x640x64xf32, #tpu.memory_space<vmem>>
        %dma_start3A_153 = tpu.memref_squeeze %dma_start3A_152 : memref<1x640x64xf32, #tpu.memory_space<vmem>> -> memref<640x64xf32, #tpu.memory_space<vmem>>
        %dma_start3A_154 = tpu.memref_slice %arg2[%mul3A_57, %mul3A_59] : memref<320000x128xf32, #tpu.memory_space<hbm>> -> memref<640x64xf32, #tpu.memory_space<hbm>>
        tpu.enqueue_dma source(%dma_start3A_154 : memref<640x64xf32, #tpu.memory_space<hbm>>) target(%dma_start3A_153 : memref<640x64xf32, #tpu.memory_space<vmem>>) target_semaphore(%arg10 : memref<!tpu.dma_semaphore, #tpu.memory_space<semaphore_mem>>)
      } else {
      }
      %add3A_65 = arith.constant 0 : i32
      %add3A_66 = arith.addi %add3A_33, %add3A_65 : i32
      %mul3A_67 = arith.constant 16 : i32
      %mul3A_68 = arith.muli %add3A_66, %mul3A_67 : i32
      %add3A_69 = arith.addi %mul3A_68, %arg1 : i32
      %lt3A_70 = arith.constant 500 : i32
      %lt3A_71 = arith.cmpi slt, %add3A_69, %lt3A_70 : i32
      %mul3A_72 = arith.constant 640 : i32
      %mul3A_73 = arith.muli %add3A_69, %mul3A_72 : i32
      %mul3A_74 = arith.constant 64 : i32
      %mul3A_75 = arith.muli %arg0, %mul3A_74 : i32
      %convert_element_type3A_76 = arith.extui %lt3A_71 : i1 to i32
      %cond3A_77 = arith.constant 0 : i32
      %cond3A_78 = arith.constant 0 : i32
      %cond3A_79 = arith.constant 0 : i32
      %cond3A_80 = arith.cmpi ne, %convert_element_type3A_76, %cond3A_79 : i32
      scf.if %cond3A_80 {
        %dma_wait3A = arith.constant 0 : i32
        %dma_wait3A_130 = arith.constant 0 : i32
        %dma_wait3A_131 = tpu.memref_slice %arg8[%cond3A_77, %dma_wait3A, %dma_wait3A_130] : memref<2x5x128xi32, #tpu.memory_space<vmem>> -> memref<1x5x128xi32, #tpu.memory_space<vmem>>
        %dma_wait3A_132 = tpu.memref_squeeze %dma_wait3A_131 : memref<1x5x128xi32, #tpu.memory_space<vmem>> -> memref<5x128xi32, #tpu.memory_space<vmem>>
        %dma_wait3A_133 = arith.constant 0 : i32
        %dma_wait3A_134 = arith.constant 0 : i32
        %dma_wait3A_135 = tpu.memref_slice %arg3[%add3A_69, %dma_wait3A_133, %dma_wait3A_134] : memref<500x5x128xi32, #tpu.memory_space<hbm>> -> memref<1x5x128xi32, #tpu.memory_space<hbm>>
        %dma_wait3A_136 = tpu.memref_squeeze %dma_wait3A_135 : memref<1x5x128xi32, #tpu.memory_space<hbm>> -> memref<5x128xi32, #tpu.memory_space<hbm>>
        %dma_wait3A_137 = arith.constant 0 : i32
        %dma_wait3A_138 = arith.constant 0 : i32
        %dma_wait3A_139 = tpu.memref_slice %arg8[%cond3A_77, %dma_wait3A_137, %dma_wait3A_138] : memref<2x5x128xi32, #tpu.memory_space<vmem>> -> memref<1x5x128xi32, #tpu.memory_space<vmem>>
        %dma_wait3A_140 = tpu.memref_squeeze %dma_wait3A_139 : memref<1x5x128xi32, #tpu.memory_space<vmem>> -> memref<5x128xi32, #tpu.memory_space<vmem>>
        %dma_wait3A_141 = arith.constant 0 : i32
        %dma_wait3A_142 = arith.constant 0 : i32
        %dma_wait3A_143 = tpu.memref_slice %arg3[%add3A_69, %dma_wait3A_141, %dma_wait3A_142] : memref<500x5x128xi32, #tpu.memory_space<hbm>> -> memref<1x5x128xi32, #tpu.memory_space<hbm>>
        %dma_wait3A_144 = tpu.memref_squeeze %dma_wait3A_143 : memref<1x5x128xi32, #tpu.memory_space<hbm>> -> memref<5x128xi32, #tpu.memory_space<hbm>>
        tpu.wait_dma2 semaphore(%arg9 : memref<!tpu.dma_semaphore, #tpu.memory_space<semaphore_mem>>) src(%dma_wait3A_144 : memref<5x128xi32, #tpu.memory_space<hbm>>) dst(%dma_wait3A_140 : memref<5x128xi32, #tpu.memory_space<vmem>>)
        %dma_wait3A_145 = arith.constant 0 : i32
        %dma_wait3A_146 = arith.constant 0 : i32
        %dma_wait3A_147 = tpu.memref_slice %arg7[%cond3A_78, %dma_wait3A_145, %dma_wait3A_146] : memref<2x640x64xf32, #tpu.memory_space<vmem>> -> memref<1x640x64xf32, #tpu.memory_space<vmem>>
        %dma_wait3A_148 = tpu.memref_squeeze %dma_wait3A_147 : memref<1x640x64xf32, #tpu.memory_space<vmem>> -> memref<640x64xf32, #tpu.memory_space<vmem>>
        %dma_wait3A_149 = tpu.memref_slice %arg2[%mul3A_73, %mul3A_75] : memref<320000x128xf32, #tpu.memory_space<hbm>> -> memref<640x64xf32, #tpu.memory_space<hbm>>
        %dma_wait3A_150 = arith.constant 0 : i32
        %dma_wait3A_151 = arith.constant 0 : i32
        %dma_wait3A_152 = tpu.memref_slice %arg7[%cond3A_78, %dma_wait3A_150, %dma_wait3A_151] : memref<2x640x64xf32, #tpu.memory_space<vmem>> -> memref<1x640x64xf32, #tpu.memory_space<vmem>>
        %dma_wait3A_153 = tpu.memref_squeeze %dma_wait3A_152 : memref<1x640x64xf32, #tpu.memory_space<vmem>> -> memref<640x64xf32, #tpu.memory_space<vmem>>
        %dma_wait3A_154 = tpu.memref_slice %arg2[%mul3A_73, %mul3A_75] : memref<320000x128xf32, #tpu.memory_space<hbm>> -> memref<640x64xf32, #tpu.memory_space<hbm>>
        tpu.wait_dma2 semaphore(%arg9 : memref<!tpu.dma_semaphore, #tpu.memory_space<semaphore_mem>>) src(%dma_wait3A_154 : memref<640x64xf32, #tpu.memory_space<hbm>>) dst(%dma_wait3A_153 : memref<640x64xf32, #tpu.memory_space<vmem>>)
        %dma_start3A = arith.constant 0 : i32
        %dma_start3A_155 = arith.constant 0 : i32
        %dma_start3A_156 = arith.constant 0 : i32
        %dma_start3A_157 = arith.constant 0 : i32
        %dma_start3A_158 = arith.constant 0 : i32
        %dma_start3A_159 = tpu.memref_slice %arg7[%dma_start3A, %dma_start3A_157, %dma_start3A_158] : memref<2x640x64xf32, #tpu.memory_space<vmem>> -> memref<1x128x64xf32, #tpu.memory_space<vmem>>
        %dma_start3A_160 = tpu.memref_squeeze %dma_start3A_159 : memref<1x128x64xf32, #tpu.memory_space<vmem>> -> memref<128x64xf32, #tpu.memory_space<vmem>>
        %dma_start3A_161 = arith.constant 0 : i32
        %dma_start3A_162 = tpu.memref_slice %arg8[%dma_start3A_155, %dma_start3A_156, %dma_start3A_161] : memref<2x5x128xi32, #tpu.memory_space<vmem>> -> memref<1x1x128xi32, #tpu.memory_space<vmem>>
        %dma_start3A_163 = tpu.memref_squeeze %dma_start3A_162 : memref<1x1x128xi32, #tpu.memory_space<vmem>> -> memref<128xi32, #tpu.memory_space<vmem>>
        %dma_start3A_164 = arith.constant 0 : i32
        %dma_start3A_165 = arith.constant 0 : i32
        %dma_start3A_166 = tpu.memref_slice %arg6[%dma_start3A_164, %dma_start3A_165] : memref<10000x64xf32, #tpu.memory_space<vmem_shared>> -> memref<10000x64xf32, #tpu.memory_space<vmem_shared>>
        tpu.enqueue_indirect_dma source(%dma_start3A_160 : memref<128x64xf32, #tpu.memory_space<vmem>>) target(%dma_start3A_166 : memref<10000x64xf32, #tpu.memory_space<vmem_shared>>) offsets(%dma_start3A_163 : memref<128xi32, #tpu.memory_space<vmem>>) semaphore(%arg11 : memref<!tpu.dma_semaphore, #tpu.memory_space<semaphore_mem>>) {add = true}
        %dma_start3A_167 = arith.constant 0 : i32
        %dma_start3A_168 = arith.constant 0 : i32
        %dma_start3A_169 = arith.constant 1 : i32
        %dma_start3A_170 = arith.constant 128 : i32
        %dma_start3A_171 = arith.constant 0 : i32
        %dma_start3A_172 = tpu.memref_slice %arg7[%dma_start3A_167, %dma_start3A_170, %dma_start3A_171] : memref<2x640x64xf32, #tpu.memory_space<vmem>> -> memref<1x128x64xf32, #tpu.memory_space<vmem>>
        %dma_start3A_173 = tpu.memref_squeeze %dma_start3A_172 : memref<1x128x64xf32, #tpu.memory_space<vmem>> -> memref<128x64xf32, #tpu.memory_space<vmem>>
        %dma_start3A_174 = arith.constant 0 : i32
        %dma_start3A_175 = tpu.memref_slice %arg8[%dma_start3A_168, %dma_start3A_169, %dma_start3A_174] : memref<2x5x128xi32, #tpu.memory_space<vmem>> -> memref<1x1x128xi32, #tpu.memory_space<vmem>>
        %dma_start3A_176 = tpu.memref_squeeze %dma_start3A_175 : memref<1x1x128xi32, #tpu.memory_space<vmem>> -> memref<128xi32, #tpu.memory_space<vmem>>
        %dma_start3A_177 = arith.constant 0 : i32
        %dma_start3A_178 = arith.constant 0 : i32
        %dma_start3A_179 = tpu.memref_slice %arg6[%dma_start3A_177, %dma_start3A_178] : memref<10000x64xf32, #tpu.memory_space<vmem_shared>> -> memref<10000x64xf32, #tpu.memory_space<vmem_shared>>
        tpu.enqueue_indirect_dma source(%dma_start3A_173 : memref<128x64xf32, #tpu.memory_space<vmem>>) target(%dma_start3A_179 : memref<10000x64xf32, #tpu.memory_space<vmem_shared>>) offsets(%dma_start3A_176 : memref<128xi32, #tpu.memory_space<vmem>>) semaphore(%arg11 : memref<!tpu.dma_semaphore, #tpu.memory_space<semaphore_mem>>) {add = true}
        %dma_start3A_180 = arith.constant 0 : i32
        %dma_start3A_181 = arith.constant 0 : i32
        %dma_start3A_182 = arith.constant 2 : i32
        %dma_start3A_183 = arith.constant 256 : i32
        %dma_start3A_184 = arith.constant 0 : i32
        %dma_start3A_185 = tpu.memref_slice %arg7[%dma_start3A_180, %dma_start3A_183, %dma_start3A_184] : memref<2x640x64xf32, #tpu.memory_space<vmem>> -> memref<1x128x64xf32, #tpu.memory_space<vmem>>
        %dma_start3A_186 = tpu.memref_squeeze %dma_start3A_185 : memref<1x128x64xf32, #tpu.memory_space<vmem>> -> memref<128x64xf32, #tpu.memory_space<vmem>>
        %dma_start3A_187 = arith.constant 0 : i32
        %dma_start3A_188 = tpu.memref_slice %arg8[%dma_start3A_181, %dma_start3A_182, %dma_start3A_187] : memref<2x5x128xi32, #tpu.memory_space<vmem>> -> memref<1x1x128xi32, #tpu.memory_space<vmem>>
        %dma_start3A_189 = tpu.memref_squeeze %dma_start3A_188 : memref<1x1x128xi32, #tpu.memory_space<vmem>> -> memref<128xi32, #tpu.memory_space<vmem>>
        %dma_start3A_190 = arith.constant 0 : i32
        %dma_start3A_191 = arith.constant 0 : i32
        %dma_start3A_192 = tpu.memref_slice %arg6[%dma_start3A_190, %dma_start3A_191] : memref<10000x64xf32, #tpu.memory_space<vmem_shared>> -> memref<10000x64xf32, #tpu.memory_space<vmem_shared>>
        tpu.enqueue_indirect_dma source(%dma_start3A_186 : memref<128x64xf32, #tpu.memory_space<vmem>>) target(%dma_start3A_192 : memref<10000x64xf32, #tpu.memory_space<vmem_shared>>) offsets(%dma_start3A_189 : memref<128xi32, #tpu.memory_space<vmem>>) semaphore(%arg11 : memref<!tpu.dma_semaphore, #tpu.memory_space<semaphore_mem>>) {add = true}
        %dma_start3A_193 = arith.constant 0 : i32
        %dma_start3A_194 = arith.constant 0 : i32
        %dma_start3A_195 = arith.constant 3 : i32
        %dma_start3A_196 = arith.constant 384 : i32
        %dma_start3A_197 = arith.constant 0 : i32
        %dma_start3A_198 = tpu.memref_slice %arg7[%dma_start3A_193, %dma_start3A_196, %dma_start3A_197] : memref<2x640x64xf32, #tpu.memory_space<vmem>> -> memref<1x128x64xf32, #tpu.memory_space<vmem>>
        %dma_start3A_199 = tpu.memref_squeeze %dma_start3A_198 : memref<1x128x64xf32, #tpu.memory_space<vmem>> -> memref<128x64xf32, #tpu.memory_space<vmem>>
        %dma_start3A_200 = arith.constant 0 : i32
        %dma_start3A_201 = tpu.memref_slice %arg8[%dma_start3A_194, %dma_start3A_195, %dma_start3A_200] : memref<2x5x128xi32, #tpu.memory_space<vmem>> -> memref<1x1x128xi32, #tpu.memory_space<vmem>>
        %dma_start3A_202 = tpu.memref_squeeze %dma_start3A_201 : memref<1x1x128xi32, #tpu.memory_space<vmem>> -> memref<128xi32, #tpu.memory_space<vmem>>
        %dma_start3A_203 = arith.constant 0 : i32
        %dma_start3A_204 = arith.constant 0 : i32
        %dma_start3A_205 = tpu.memref_slice %arg6[%dma_start3A_203, %dma_start3A_204] : memref<10000x64xf32, #tpu.memory_space<vmem_shared>> -> memref<10000x64xf32, #tpu.memory_space<vmem_shared>>
        tpu.enqueue_indirect_dma source(%dma_start3A_199 : memref<128x64xf32, #tpu.memory_space<vmem>>) target(%dma_start3A_205 : memref<10000x64xf32, #tpu.memory_space<vmem_shared>>) offsets(%dma_start3A_202 : memref<128xi32, #tpu.memory_space<vmem>>) semaphore(%arg11 : memref<!tpu.dma_semaphore, #tpu.memory_space<semaphore_mem>>) {add = true}
        %dma_start3A_206 = arith.constant 0 : i32
        %dma_start3A_207 = arith.constant 0 : i32
        %dma_start3A_208 = arith.constant 4 : i32
        %dma_start3A_209 = arith.constant 512 : i32
        %dma_start3A_210 = arith.constant 0 : i32
        %dma_start3A_211 = tpu.memref_slice %arg7[%dma_start3A_206, %dma_start3A_209, %dma_start3A_210] : memref<2x640x64xf32, #tpu.memory_space<vmem>> -> memref<1x128x64xf32, #tpu.memory_space<vmem>>
        %dma_start3A_212 = tpu.memref_squeeze %dma_start3A_211 : memref<1x128x64xf32, #tpu.memory_space<vmem>> -> memref<128x64xf32, #tpu.memory_space<vmem>>
        %dma_start3A_213 = arith.constant 0 : i32
        %dma_start3A_214 = tpu.memref_slice %arg8[%dma_start3A_207, %dma_start3A_208, %dma_start3A_213] : memref<2x5x128xi32, #tpu.memory_space<vmem>> -> memref<1x1x128xi32, #tpu.memory_space<vmem>>
        %dma_start3A_215 = tpu.memref_squeeze %dma_start3A_214 : memref<1x1x128xi32, #tpu.memory_space<vmem>> -> memref<128xi32, #tpu.memory_space<vmem>>
        %dma_start3A_216 = arith.constant 0 : i32
        %dma_start3A_217 = arith.constant 0 : i32
        %dma_start3A_218 = tpu.memref_slice %arg6[%dma_start3A_216, %dma_start3A_217] : memref<10000x64xf32, #tpu.memory_space<vmem_shared>> -> memref<10000x64xf32, #tpu.memory_space<vmem_shared>>
        tpu.enqueue_indirect_dma source(%dma_start3A_212 : memref<128x64xf32, #tpu.memory_space<vmem>>) target(%dma_start3A_218 : memref<10000x64xf32, #tpu.memory_space<vmem_shared>>) offsets(%dma_start3A_215 : memref<128xi32, #tpu.memory_space<vmem>>) semaphore(%arg11 : memref<!tpu.dma_semaphore, #tpu.memory_space<semaphore_mem>>) {add = true}
      } else {
      }
      %add3A_81 = arith.constant 1 : i32
      %add3A_82 = arith.addi %add3A_33, %add3A_81 : i32
      %sub3A_83 = arith.constant 1 : i32
      %sub3A_84 = arith.subi %add3A_82, %sub3A_83 : i32
      %mul3A_85 = arith.constant 16 : i32
      %mul3A_86 = arith.muli %sub3A_84, %mul3A_85 : i32
      %add3A_87 = arith.addi %mul3A_86, %arg1 : i32
      %ge3A_88 = arith.constant 0 : i32
      %ge3A_89 = arith.cmpi sge, %sub3A_84, %ge3A_88 : i32
      %lt3A_90 = arith.constant 500 : i32
      %lt3A_91 = arith.cmpi slt, %add3A_87, %lt3A_90 : i32
      %and3A_92 = arith.andi %ge3A_89, %lt3A_91 : i1
      %convert_element_type3A_93 = arith.extui %and3A_92 : i1 to i32
      %cond3A_94 = arith.constant 0 : i32
      %cond3A_95 = arith.cmpi ne, %convert_element_type3A_93, %cond3A_94 : i32
      scf.if %cond3A_95 {
        %dma_wait3A = arith.constant 0 : i32
        %dma_wait3A_130 = arith.constant 0 : i32
        %dma_wait3A_131 = arith.constant 0 : i32
        %dma_wait3A_132 = arith.constant 0 : i32
        %dma_wait3A_133 = arith.constant 0 : i32
        %dma_wait3A_134 = tpu.memref_slice %arg7[%dma_wait3A, %dma_wait3A_132, %dma_wait3A_133] : memref<2x640x64xf32, #tpu.memory_space<vmem>> -> memref<1x128x64xf32, #tpu.memory_space<vmem>>
        %dma_wait3A_135 = tpu.memref_squeeze %dma_wait3A_134 : memref<1x128x64xf32, #tpu.memory_space<vmem>> -> memref<128x64xf32, #tpu.memory_space<vmem>>
        %dma_wait3A_136 = arith.constant 0 : i32
        %dma_wait3A_137 = tpu.memref_slice %arg8[%dma_wait3A_130, %dma_wait3A_131, %dma_wait3A_136] : memref<2x5x128xi32, #tpu.memory_space<vmem>> -> memref<1x1x128xi32, #tpu.memory_space<vmem>>
        %dma_wait3A_138 = tpu.memref_squeeze %dma_wait3A_137 : memref<1x1x128xi32, #tpu.memory_space<vmem>> -> memref<128xi32, #tpu.memory_space<vmem>>
        %dma_wait3A_139 = arith.constant 0 : i32
        %dma_wait3A_140 = arith.constant 0 : i32
        %dma_wait3A_141 = tpu.memref_slice %arg6[%dma_wait3A_139, %dma_wait3A_140] : memref<10000x64xf32, #tpu.memory_space<vmem_shared>> -> memref<10000x64xf32, #tpu.memory_space<vmem_shared>>
        tpu.wait_indirect_dma semaphore(%arg11 : memref<!tpu.dma_semaphore, #tpu.memory_space<semaphore_mem>>) src(%dma_wait3A_135 : memref<128x64xf32, #tpu.memory_space<vmem>>) dst(%dma_wait3A_141 : memref<10000x64xf32, #tpu.memory_space<vmem_shared>>)
        %dma_wait3A_142 = arith.constant 0 : i32
        %dma_wait3A_143 = arith.constant 0 : i32
        %dma_wait3A_144 = arith.constant 1 : i32
        %dma_wait3A_145 = arith.constant 128 : i32
        %dma_wait3A_146 = arith.constant 0 : i32
        %dma_wait3A_147 = tpu.memref_slice %arg7[%dma_wait3A_142, %dma_wait3A_145, %dma_wait3A_146] : memref<2x640x64xf32, #tpu.memory_space<vmem>> -> memref<1x128x64xf32, #tpu.memory_space<vmem>>
        %dma_wait3A_148 = tpu.memref_squeeze %dma_wait3A_147 : memref<1x128x64xf32, #tpu.memory_space<vmem>> -> memref<128x64xf32, #tpu.memory_space<vmem>>
        %dma_wait3A_149 = arith.constant 0 : i32
        %dma_wait3A_150 = tpu.memref_slice %arg8[%dma_wait3A_143, %dma_wait3A_144, %dma_wait3A_149] : memref<2x5x128xi32, #tpu.memory_space<vmem>> -> memref<1x1x128xi32, #tpu.memory_space<vmem>>
        %dma_wait3A_151 = tpu.memref_squeeze %dma_wait3A_150 : memref<1x1x128xi32, #tpu.memory_space<vmem>> -> memref<128xi32, #tpu.memory_space<vmem>>
        %dma_wait3A_152 = arith.constant 0 : i32
        %dma_wait3A_153 = arith.constant 0 : i32
        %dma_wait3A_154 = tpu.memref_slice %arg6[%dma_wait3A_152, %dma_wait3A_153] : memref<10000x64xf32, #tpu.memory_space<vmem_shared>> -> memref<10000x64xf32, #tpu.memory_space<vmem_shared>>
        tpu.wait_indirect_dma semaphore(%arg11 : memref<!tpu.dma_semaphore, #tpu.memory_space<semaphore_mem>>) src(%dma_wait3A_148 : memref<128x64xf32, #tpu.memory_space<vmem>>) dst(%dma_wait3A_154 : memref<10000x64xf32, #tpu.memory_space<vmem_shared>>)
        %dma_wait3A_155 = arith.constant 0 : i32
        %dma_wait3A_156 = arith.constant 0 : i32
        %dma_wait3A_157 = arith.constant 2 : i32
        %dma_wait3A_158 = arith.constant 256 : i32
        %dma_wait3A_159 = arith.constant 0 : i32
        %dma_wait3A_160 = tpu.memref_slice %arg7[%dma_wait3A_155, %dma_wait3A_158, %dma_wait3A_159] : memref<2x640x64xf32, #tpu.memory_space<vmem>> -> memref<1x128x64xf32, #tpu.memory_space<vmem>>
        %dma_wait3A_161 = tpu.memref_squeeze %dma_wait3A_160 : memref<1x128x64xf32, #tpu.memory_space<vmem>> -> memref<128x64xf32, #tpu.memory_space<vmem>>
        %dma_wait3A_162 = arith.constant 0 : i32
        %dma_wait3A_163 = tpu.memref_slice %arg8[%dma_wait3A_156, %dma_wait3A_157, %dma_wait3A_162] : memref<2x5x128xi32, #tpu.memory_space<vmem>> -> memref<1x1x128xi32, #tpu.memory_space<vmem>>
        %dma_wait3A_164 = tpu.memref_squeeze %dma_wait3A_163 : memref<1x1x128xi32, #tpu.memory_space<vmem>> -> memref<128xi32, #tpu.memory_space<vmem>>
        %dma_wait3A_165 = arith.constant 0 : i32
        %dma_wait3A_166 = arith.constant 0 : i32
        %dma_wait3A_167 = tpu.memref_slice %arg6[%dma_wait3A_165, %dma_wait3A_166] : memref<10000x64xf32, #tpu.memory_space<vmem_shared>> -> memref<10000x64xf32, #tpu.memory_space<vmem_shared>>
        tpu.wait_indirect_dma semaphore(%arg11 : memref<!tpu.dma_semaphore, #tpu.memory_space<semaphore_mem>>) src(%dma_wait3A_161 : memref<128x64xf32, #tpu.memory_space<vmem>>) dst(%dma_wait3A_167 : memref<10000x64xf32, #tpu.memory_space<vmem_shared>>)
        %dma_wait3A_168 = arith.constant 0 : i32
        %dma_wait3A_169 = arith.constant 0 : i32
        %dma_wait3A_170 = arith.constant 3 : i32
        %dma_wait3A_171 = arith.constant 384 : i32
        %dma_wait3A_172 = arith.constant 0 : i32
        %dma_wait3A_173 = tpu.memref_slice %arg7[%dma_wait3A_168, %dma_wait3A_171, %dma_wait3A_172] : memref<2x640x64xf32, #tpu.memory_space<vmem>> -> memref<1x128x64xf32, #tpu.memory_space<vmem>>
        %dma_wait3A_174 = tpu.memref_squeeze %dma_wait3A_173 : memref<1x128x64xf32, #tpu.memory_space<vmem>> -> memref<128x64xf32, #tpu.memory_space<vmem>>
        %dma_wait3A_175 = arith.constant 0 : i32
        %dma_wait3A_176 = tpu.memref_slice %arg8[%dma_wait3A_169, %dma_wait3A_170, %dma_wait3A_175] : memref<2x5x128xi32, #tpu.memory_space<vmem>> -> memref<1x1x128xi32, #tpu.memory_space<vmem>>
        %dma_wait3A_177 = tpu.memref_squeeze %dma_wait3A_176 : memref<1x1x128xi32, #tpu.memory_space<vmem>> -> memref<128xi32, #tpu.memory_space<vmem>>
        %dma_wait3A_178 = arith.constant 0 : i32
        %dma_wait3A_179 = arith.constant 0 : i32
        %dma_wait3A_180 = tpu.memref_slice %arg6[%dma_wait3A_178, %dma_wait3A_179] : memref<10000x64xf32, #tpu.memory_space<vmem_shared>> -> memref<10000x64xf32, #tpu.memory_space<vmem_shared>>
        tpu.wait_indirect_dma semaphore(%arg11 : memref<!tpu.dma_semaphore, #tpu.memory_space<semaphore_mem>>) src(%dma_wait3A_174 : memref<128x64xf32, #tpu.memory_space<vmem>>) dst(%dma_wait3A_180 : memref<10000x64xf32, #tpu.memory_space<vmem_shared>>)
        %dma_wait3A_181 = arith.constant 0 : i32
        %dma_wait3A_182 = arith.constant 0 : i32
        %dma_wait3A_183 = arith.constant 4 : i32
        %dma_wait3A_184 = arith.constant 512 : i32
        %dma_wait3A_185 = arith.constant 0 : i32
        %dma_wait3A_186 = tpu.memref_slice %arg7[%dma_wait3A_181, %dma_wait3A_184, %dma_wait3A_185] : memref<2x640x64xf32, #tpu.memory_space<vmem>> -> memref<1x128x64xf32, #tpu.memory_space<vmem>>
        %dma_wait3A_187 = tpu.memref_squeeze %dma_wait3A_186 : memref<1x128x64xf32, #tpu.memory_space<vmem>> -> memref<128x64xf32, #tpu.memory_space<vmem>>
        %dma_wait3A_188 = arith.constant 0 : i32
        %dma_wait3A_189 = tpu.memref_slice %arg8[%dma_wait3A_182, %dma_wait3A_183, %dma_wait3A_188] : memref<2x5x128xi32, #tpu.memory_space<vmem>> -> memref<1x1x128xi32, #tpu.memory_space<vmem>>
        %dma_wait3A_190 = tpu.memref_squeeze %dma_wait3A_189 : memref<1x1x128xi32, #tpu.memory_space<vmem>> -> memref<128xi32, #tpu.memory_space<vmem>>
        %dma_wait3A_191 = arith.constant 0 : i32
        %dma_wait3A_192 = arith.constant 0 : i32
        %dma_wait3A_193 = tpu.memref_slice %arg6[%dma_wait3A_191, %dma_wait3A_192] : memref<10000x64xf32, #tpu.memory_space<vmem_shared>> -> memref<10000x64xf32, #tpu.memory_space<vmem_shared>>
        tpu.wait_indirect_dma semaphore(%arg11 : memref<!tpu.dma_semaphore, #tpu.memory_space<semaphore_mem>>) src(%dma_wait3A_187 : memref<128x64xf32, #tpu.memory_space<vmem>>) dst(%dma_wait3A_193 : memref<10000x64xf32, #tpu.memory_space<vmem_shared>>)
      } else {
      }
      %add3A_96 = arith.constant 1 : i32
      %add3A_97 = arith.addi %add3A_33, %add3A_96 : i32
      %add3A_98 = arith.constant 1 : i32
      %add3A_99 = arith.addi %add3A_97, %add3A_98 : i32
      %mul3A_100 = arith.constant 16 : i32
      %mul3A_101 = arith.muli %add3A_99, %mul3A_100 : i32
      %add3A_102 = arith.addi %mul3A_101, %arg1 : i32
      %lt3A_103 = arith.constant 500 : i32
      %lt3A_104 = arith.cmpi slt, %add3A_102, %lt3A_103 : i32
      %mul3A_105 = arith.constant 640 : i32
      %mul3A_106 = arith.muli %add3A_102, %mul3A_105 : i32
      %mul3A_107 = arith.constant 64 : i32
      %mul3A_108 = arith.muli %arg0, %mul3A_107 : i32
      %convert_element_type3A_109 = arith.extui %lt3A_104 : i1 to i32
      %cond3A_110 = arith.constant 0 : i32
      %cond3A_111 = arith.constant 0 : i32
      %cond3A_112 = arith.constant 0 : i32
      %cond3A_113 = arith.cmpi ne, %convert_element_type3A_109, %cond3A_112 : i32
      scf.if %cond3A_113 {
        %dma_start3A = arith.constant 0 : i32
        %dma_start3A_130 = arith.constant 0 : i32
        %dma_start3A_131 = tpu.memref_slice %arg8[%cond3A_110, %dma_start3A, %dma_start3A_130] : memref<2x5x128xi32, #tpu.memory_space<vmem>> -> memref<1x5x128xi32, #tpu.memory_space<vmem>>
        %dma_start3A_132 = tpu.memref_squeeze %dma_start3A_131 : memref<1x5x128xi32, #tpu.memory_space<vmem>> -> memref<5x128xi32, #tpu.memory_space<vmem>>
        %dma_start3A_133 = arith.constant 0 : i32
        %dma_start3A_134 = arith.constant 0 : i32
        %dma_start3A_135 = tpu.memref_slice %arg3[%add3A_102, %dma_start3A_133, %dma_start3A_134] : memref<500x5x128xi32, #tpu.memory_space<hbm>> -> memref<1x5x128xi32, #tpu.memory_space<hbm>>
        %dma_start3A_136 = tpu.memref_squeeze %dma_start3A_135 : memref<1x5x128xi32, #tpu.memory_space<hbm>> -> memref<5x128xi32, #tpu.memory_space<hbm>>
        %dma_start3A_137 = arith.constant 0 : i32
        %dma_start3A_138 = arith.constant 0 : i32
        %dma_start3A_139 = tpu.memref_slice %arg8[%cond3A_110, %dma_start3A_137, %dma_start3A_138] : memref<2x5x128xi32, #tpu.memory_space<vmem>> -> memref<1x5x128xi32, #tpu.memory_space<vmem>>
        %dma_start3A_140 = tpu.memref_squeeze %dma_start3A_139 : memref<1x5x128xi32, #tpu.memory_space<vmem>> -> memref<5x128xi32, #tpu.memory_space<vmem>>
        %dma_start3A_141 = arith.constant 0 : i32
        %dma_start3A_142 = arith.constant 0 : i32
        %dma_start3A_143 = tpu.memref_slice %arg3[%add3A_102, %dma_start3A_141, %dma_start3A_142] : memref<500x5x128xi32, #tpu.memory_space<hbm>> -> memref<1x5x128xi32, #tpu.memory_space<hbm>>
        %dma_start3A_144 = tpu.memref_squeeze %dma_start3A_143 : memref<1x5x128xi32, #tpu.memory_space<hbm>> -> memref<5x128xi32, #tpu.memory_space<hbm>>
        tpu.enqueue_dma source(%dma_start3A_144 : memref<5x128xi32, #tpu.memory_space<hbm>>) target(%dma_start3A_140 : memref<5x128xi32, #tpu.memory_space<vmem>>) target_semaphore(%arg9 : memref<!tpu.dma_semaphore, #tpu.memory_space<semaphore_mem>>)
        %dma_start3A_145 = arith.constant 0 : i32
        %dma_start3A_146 = arith.constant 0 : i32
        %dma_start3A_147 = tpu.memref_slice %arg7[%cond3A_111, %dma_start3A_145, %dma_start3A_146] : memref<2x640x64xf32, #tpu.memory_space<vmem>> -> memref<1x640x64xf32, #tpu.memory_space<vmem>>
        %dma_start3A_148 = tpu.memref_squeeze %dma_start3A_147 : memref<1x640x64xf32, #tpu.memory_space<vmem>> -> memref<640x64xf32, #tpu.memory_space<vmem>>
        %dma_start3A_149 = tpu.memref_slice %arg2[%mul3A_106, %mul3A_108] : memref<320000x128xf32, #tpu.memory_space<hbm>> -> memref<640x64xf32, #tpu.memory_space<hbm>>
        %dma_start3A_150 = arith.constant 0 : i32
        %dma_start3A_151 = arith.constant 0 : i32
        %dma_start3A_152 = tpu.memref_slice %arg7[%cond3A_111, %dma_start3A_150, %dma_start3A_151] : memref<2x640x64xf32, #tpu.memory_space<vmem>> -> memref<1x640x64xf32, #tpu.memory_space<vmem>>
        %dma_start3A_153 = tpu.memref_squeeze %dma_start3A_152 : memref<1x640x64xf32, #tpu.memory_space<vmem>> -> memref<640x64xf32, #tpu.memory_space<vmem>>
        %dma_start3A_154 = tpu.memref_slice %arg2[%mul3A_106, %mul3A_108] : memref<320000x128xf32, #tpu.memory_space<hbm>> -> memref<640x64xf32, #tpu.memory_space<hbm>>
        tpu.enqueue_dma source(%dma_start3A_154 : memref<640x64xf32, #tpu.memory_space<hbm>>) target(%dma_start3A_153 : memref<640x64xf32, #tpu.memory_space<vmem>>) target_semaphore(%arg9 : memref<!tpu.dma_semaphore, #tpu.memory_space<semaphore_mem>>)
      } else {
      }
      %add3A_114 = arith.constant 1 : i32
      %add3A_115 = arith.addi %add3A_33, %add3A_114 : i32
      %mul3A_116 = arith.constant 16 : i32
      %mul3A_117 = arith.muli %add3A_115, %mul3A_116 : i32
      %add3A_118 = arith.addi %mul3A_117, %arg1 : i32
      %lt3A_119 = arith.constant 500 : i32
      %lt3A_120 = arith.cmpi slt, %add3A_118, %lt3A_119 : i32
      %mul3A_121 = arith.constant 640 : i32
      %mul3A_122 = arith.muli %add3A_118, %mul3A_121 : i32
      %mul3A_123 = arith.constant 64 : i32
      %mul3A_124 = arith.muli %arg0, %mul3A_123 : i32
      %convert_element_type3A_125 = arith.extui %lt3A_120 : i1 to i32
      %cond3A_126 = arith.constant 1 : i32
      %cond3A_127 = arith.constant 1 : i32
      %cond3A_128 = arith.constant 0 : i32
      %cond3A_129 = arith.cmpi ne, %convert_element_type3A_125, %cond3A_128 : i32
      scf.if %cond3A_129 {
        %dma_wait3A = arith.constant 0 : i32
        %dma_wait3A_130 = arith.constant 0 : i32
        %dma_wait3A_131 = tpu.memref_slice %arg8[%cond3A_126, %dma_wait3A, %dma_wait3A_130] : memref<2x5x128xi32, #tpu.memory_space<vmem>> -> memref<1x5x128xi32, #tpu.memory_space<vmem>>
        %dma_wait3A_132 = tpu.memref_squeeze %dma_wait3A_131 : memref<1x5x128xi32, #tpu.memory_space<vmem>> -> memref<5x128xi32, #tpu.memory_space<vmem>>
        %dma_wait3A_133 = arith.constant 0 : i32
        %dma_wait3A_134 = arith.constant 0 : i32
        %dma_wait3A_135 = tpu.memref_slice %arg3[%add3A_118, %dma_wait3A_133, %dma_wait3A_134] : memref<500x5x128xi32, #tpu.memory_space<hbm>> -> memref<1x5x128xi32, #tpu.memory_space<hbm>>
        %dma_wait3A_136 = tpu.memref_squeeze %dma_wait3A_135 : memref<1x5x128xi32, #tpu.memory_space<hbm>> -> memref<5x128xi32, #tpu.memory_space<hbm>>
        %dma_wait3A_137 = arith.constant 0 : i32
        %dma_wait3A_138 = arith.constant 0 : i32
        %dma_wait3A_139 = tpu.memref_slice %arg8[%cond3A_126, %dma_wait3A_137, %dma_wait3A_138] : memref<2x5x128xi32, #tpu.memory_space<vmem>> -> memref<1x5x128xi32, #tpu.memory_space<vmem>>
        %dma_wait3A_140 = tpu.memref_squeeze %dma_wait3A_139 : memref<1x5x128xi32, #tpu.memory_space<vmem>> -> memref<5x128xi32, #tpu.memory_space<vmem>>
        %dma_wait3A_141 = arith.constant 0 : i32
        %dma_wait3A_142 = arith.constant 0 : i32
        %dma_wait3A_143 = tpu.memref_slice %arg3[%add3A_118, %dma_wait3A_141, %dma_wait3A_142] : memref<500x5x128xi32, #tpu.memory_space<hbm>> -> memref<1x5x128xi32, #tpu.memory_space<hbm>>
        %dma_wait3A_144 = tpu.memref_squeeze %dma_wait3A_143 : memref<1x5x128xi32, #tpu.memory_space<hbm>> -> memref<5x128xi32, #tpu.memory_space<hbm>>
        tpu.wait_dma2 semaphore(%arg10 : memref<!tpu.dma_semaphore, #tpu.memory_space<semaphore_mem>>) src(%dma_wait3A_144 : memref<5x128xi32, #tpu.memory_space<hbm>>) dst(%dma_wait3A_140 : memref<5x128xi32, #tpu.memory_space<vmem>>)
        %dma_wait3A_145 = arith.constant 0 : i32
        %dma_wait3A_146 = arith.constant 0 : i32
        %dma_wait3A_147 = tpu.memref_slice %arg7[%cond3A_127, %dma_wait3A_145, %dma_wait3A_146] : memref<2x640x64xf32, #tpu.memory_space<vmem>> -> memref<1x640x64xf32, #tpu.memory_space<vmem>>
        %dma_wait3A_148 = tpu.memref_squeeze %dma_wait3A_147 : memref<1x640x64xf32, #tpu.memory_space<vmem>> -> memref<640x64xf32, #tpu.memory_space<vmem>>
        %dma_wait3A_149 = tpu.memref_slice %arg2[%mul3A_122, %mul3A_124] : memref<320000x128xf32, #tpu.memory_space<hbm>> -> memref<640x64xf32, #tpu.memory_space<hbm>>
        %dma_wait3A_150 = arith.constant 0 : i32
        %dma_wait3A_151 = arith.constant 0 : i32
        %dma_wait3A_152 = tpu.memref_slice %arg7[%cond3A_127, %dma_wait3A_150, %dma_wait3A_151] : memref<2x640x64xf32, #tpu.memory_space<vmem>> -> memref<1x640x64xf32, #tpu.memory_space<vmem>>
        %dma_wait3A_153 = tpu.memref_squeeze %dma_wait3A_152 : memref<1x640x64xf32, #tpu.memory_space<vmem>> -> memref<640x64xf32, #tpu.memory_space<vmem>>
        %dma_wait3A_154 = tpu.memref_slice %arg2[%mul3A_122, %mul3A_124] : memref<320000x128xf32, #tpu.memory_space<hbm>> -> memref<640x64xf32, #tpu.memory_space<hbm>>
        tpu.wait_dma2 semaphore(%arg10 : memref<!tpu.dma_semaphore, #tpu.memory_space<semaphore_mem>>) src(%dma_wait3A_154 : memref<640x64xf32, #tpu.memory_space<hbm>>) dst(%dma_wait3A_153 : memref<640x64xf32, #tpu.memory_space<vmem>>)
        %dma_start3A = arith.constant 1 : i32
        %dma_start3A_155 = arith.constant 1 : i32
        %dma_start3A_156 = arith.constant 0 : i32
        %dma_start3A_157 = arith.constant 0 : i32
        %dma_start3A_158 = arith.constant 0 : i32
        %dma_start3A_159 = tpu.memref_slice %arg7[%dma_start3A, %dma_start3A_157, %dma_start3A_158] : memref<2x640x64xf32, #tpu.memory_space<vmem>> -> memref<1x128x64xf32, #tpu.memory_space<vmem>>
        %dma_start3A_160 = tpu.memref_squeeze %dma_start3A_159 : memref<1x128x64xf32, #tpu.memory_space<vmem>> -> memref<128x64xf32, #tpu.memory_space<vmem>>
        %dma_start3A_161 = arith.constant 0 : i32
        %dma_start3A_162 = tpu.memref_slice %arg8[%dma_start3A_155, %dma_start3A_156, %dma_start3A_161] : memref<2x5x128xi32, #tpu.memory_space<vmem>> -> memref<1x1x128xi32, #tpu.memory_space<vmem>>
        %dma_start3A_163 = tpu.memref_squeeze %dma_start3A_162 : memref<1x1x128xi32, #tpu.memory_space<vmem>> -> memref<128xi32, #tpu.memory_space<vmem>>
        %dma_start3A_164 = arith.constant 0 : i32
        %dma_start3A_165 = arith.constant 0 : i32
        %dma_start3A_166 = tpu.memref_slice %arg6[%dma_start3A_164, %dma_start3A_165] : memref<10000x64xf32, #tpu.memory_space<vmem_shared>> -> memref<10000x64xf32, #tpu.memory_space<vmem_shared>>
        tpu.enqueue_indirect_dma source(%dma_start3A_160 : memref<128x64xf32, #tpu.memory_space<vmem>>) target(%dma_start3A_166 : memref<10000x64xf32, #tpu.memory_space<vmem_shared>>) offsets(%dma_start3A_163 : memref<128xi32, #tpu.memory_space<vmem>>) semaphore(%arg11 : memref<!tpu.dma_semaphore, #tpu.memory_space<semaphore_mem>>) {add = true}
        %dma_start3A_167 = arith.constant 1 : i32
        %dma_start3A_168 = arith.constant 1 : i32
        %dma_start3A_169 = arith.constant 1 : i32
        %dma_start3A_170 = arith.constant 128 : i32
        %dma_start3A_171 = arith.constant 0 : i32
        %dma_start3A_172 = tpu.memref_slice %arg7[%dma_start3A_167, %dma_start3A_170, %dma_start3A_171] : memref<2x640x64xf32, #tpu.memory_space<vmem>> -> memref<1x128x64xf32, #tpu.memory_space<vmem>>
        %dma_start3A_173 = tpu.memref_squeeze %dma_start3A_172 : memref<1x128x64xf32, #tpu.memory_space<vmem>> -> memref<128x64xf32, #tpu.memory_space<vmem>>
        %dma_start3A_174 = arith.constant 0 : i32
        %dma_start3A_175 = tpu.memref_slice %arg8[%dma_start3A_168, %dma_start3A_169, %dma_start3A_174] : memref<2x5x128xi32, #tpu.memory_space<vmem>> -> memref<1x1x128xi32, #tpu.memory_space<vmem>>
        %dma_start3A_176 = tpu.memref_squeeze %dma_start3A_175 : memref<1x1x128xi32, #tpu.memory_space<vmem>> -> memref<128xi32, #tpu.memory_space<vmem>>
        %dma_start3A_177 = arith.constant 0 : i32
        %dma_start3A_178 = arith.constant 0 : i32
        %dma_start3A_179 = tpu.memref_slice %arg6[%dma_start3A_177, %dma_start3A_178] : memref<10000x64xf32, #tpu.memory_space<vmem_shared>> -> memref<10000x64xf32, #tpu.memory_space<vmem_shared>>
        tpu.enqueue_indirect_dma source(%dma_start3A_173 : memref<128x64xf32, #tpu.memory_space<vmem>>) target(%dma_start3A_179 : memref<10000x64xf32, #tpu.memory_space<vmem_shared>>) offsets(%dma_start3A_176 : memref<128xi32, #tpu.memory_space<vmem>>) semaphore(%arg11 : memref<!tpu.dma_semaphore, #tpu.memory_space<semaphore_mem>>) {add = true}
        %dma_start3A_180 = arith.constant 1 : i32
        %dma_start3A_181 = arith.constant 1 : i32
        %dma_start3A_182 = arith.constant 2 : i32
        %dma_start3A_183 = arith.constant 256 : i32
        %dma_start3A_184 = arith.constant 0 : i32
        %dma_start3A_185 = tpu.memref_slice %arg7[%dma_start3A_180, %dma_start3A_183, %dma_start3A_184] : memref<2x640x64xf32, #tpu.memory_space<vmem>> -> memref<1x128x64xf32, #tpu.memory_space<vmem>>
        %dma_start3A_186 = tpu.memref_squeeze %dma_start3A_185 : memref<1x128x64xf32, #tpu.memory_space<vmem>> -> memref<128x64xf32, #tpu.memory_space<vmem>>
        %dma_start3A_187 = arith.constant 0 : i32
        %dma_start3A_188 = tpu.memref_slice %arg8[%dma_start3A_181, %dma_start3A_182, %dma_start3A_187] : memref<2x5x128xi32, #tpu.memory_space<vmem>> -> memref<1x1x128xi32, #tpu.memory_space<vmem>>
        %dma_start3A_189 = tpu.memref_squeeze %dma_start3A_188 : memref<1x1x128xi32, #tpu.memory_space<vmem>> -> memref<128xi32, #tpu.memory_space<vmem>>
        %dma_start3A_190 = arith.constant 0 : i32
        %dma_start3A_191 = arith.constant 0 : i32
        %dma_start3A_192 = tpu.memref_slice %arg6[%dma_start3A_190, %dma_start3A_191] : memref<10000x64xf32, #tpu.memory_space<vmem_shared>> -> memref<10000x64xf32, #tpu.memory_space<vmem_shared>>
        tpu.enqueue_indirect_dma source(%dma_start3A_186 : memref<128x64xf32, #tpu.memory_space<vmem>>) target(%dma_start3A_192 : memref<10000x64xf32, #tpu.memory_space<vmem_shared>>) offsets(%dma_start3A_189 : memref<128xi32, #tpu.memory_space<vmem>>) semaphore(%arg11 : memref<!tpu.dma_semaphore, #tpu.memory_space<semaphore_mem>>) {add = true}
        %dma_start3A_193 = arith.constant 1 : i32
        %dma_start3A_194 = arith.constant 1 : i32
        %dma_start3A_195 = arith.constant 3 : i32
        %dma_start3A_196 = arith.constant 384 : i32
        %dma_start3A_197 = arith.constant 0 : i32
        %dma_start3A_198 = tpu.memref_slice %arg7[%dma_start3A_193, %dma_start3A_196, %dma_start3A_197] : memref<2x640x64xf32, #tpu.memory_space<vmem>> -> memref<1x128x64xf32, #tpu.memory_space<vmem>>
        %dma_start3A_199 = tpu.memref_squeeze %dma_start3A_198 : memref<1x128x64xf32, #tpu.memory_space<vmem>> -> memref<128x64xf32, #tpu.memory_space<vmem>>
        %dma_start3A_200 = arith.constant 0 : i32
        %dma_start3A_201 = tpu.memref_slice %arg8[%dma_start3A_194, %dma_start3A_195, %dma_start3A_200] : memref<2x5x128xi32, #tpu.memory_space<vmem>> -> memref<1x1x128xi32, #tpu.memory_space<vmem>>
        %dma_start3A_202 = tpu.memref_squeeze %dma_start3A_201 : memref<1x1x128xi32, #tpu.memory_space<vmem>> -> memref<128xi32, #tpu.memory_space<vmem>>
        %dma_start3A_203 = arith.constant 0 : i32
        %dma_start3A_204 = arith.constant 0 : i32
        %dma_start3A_205 = tpu.memref_slice %arg6[%dma_start3A_203, %dma_start3A_204] : memref<10000x64xf32, #tpu.memory_space<vmem_shared>> -> memref<10000x64xf32, #tpu.memory_space<vmem_shared>>
        tpu.enqueue_indirect_dma source(%dma_start3A_199 : memref<128x64xf32, #tpu.memory_space<vmem>>) target(%dma_start3A_205 : memref<10000x64xf32, #tpu.memory_space<vmem_shared>>) offsets(%dma_start3A_202 : memref<128xi32, #tpu.memory_space<vmem>>) semaphore(%arg11 : memref<!tpu.dma_semaphore, #tpu.memory_space<semaphore_mem>>) {add = true}
        %dma_start3A_206 = arith.constant 1 : i32
        %dma_start3A_207 = arith.constant 1 : i32
        %dma_start3A_208 = arith.constant 4 : i32
        %dma_start3A_209 = arith.constant 512 : i32
        %dma_start3A_210 = arith.constant 0 : i32
        %dma_start3A_211 = tpu.memref_slice %arg7[%dma_start3A_206, %dma_start3A_209, %dma_start3A_210] : memref<2x640x64xf32, #tpu.memory_space<vmem>> -> memref<1x128x64xf32, #tpu.memory_space<vmem>>
        %dma_start3A_212 = tpu.memref_squeeze %dma_start3A_211 : memref<1x128x64xf32, #tpu.memory_space<vmem>> -> memref<128x64xf32, #tpu.memory_space<vmem>>
        %dma_start3A_213 = arith.constant 0 : i32
        %dma_start3A_214 = tpu.memref_slice %arg8[%dma_start3A_207, %dma_start3A_208, %dma_start3A_213] : memref<2x5x128xi32, #tpu.memory_space<vmem>> -> memref<1x1x128xi32, #tpu.memory_space<vmem>>
        %dma_start3A_215 = tpu.memref_squeeze %dma_start3A_214 : memref<1x1x128xi32, #tpu.memory_space<vmem>> -> memref<128xi32, #tpu.memory_space<vmem>>
        %dma_start3A_216 = arith.constant 0 : i32
        %dma_start3A_217 = arith.constant 0 : i32
        %dma_start3A_218 = tpu.memref_slice %arg6[%dma_start3A_216, %dma_start3A_217] : memref<10000x64xf32, #tpu.memory_space<vmem_shared>> -> memref<10000x64xf32, #tpu.memory_space<vmem_shared>>
        tpu.enqueue_indirect_dma source(%dma_start3A_212 : memref<128x64xf32, #tpu.memory_space<vmem>>) target(%dma_start3A_218 : memref<10000x64xf32, #tpu.memory_space<vmem_shared>>) offsets(%dma_start3A_215 : memref<128xi32, #tpu.memory_space<vmem>>) semaphore(%arg11 : memref<!tpu.dma_semaphore, #tpu.memory_space<semaphore_mem>>) {add = true}
      } else {
      }
    }
    %scan3A_13 = arith.constant 16 : i32
    %add3A_14 = arith.constant 496 : i32
    %add3A_15 = arith.addi %add3A_14, %arg1 : i32
    %lt3A_16 = arith.constant 500 : i32
    %lt3A_17 = arith.cmpi slt, %add3A_15, %lt3A_16 : i32
    %and3A = arith.constant true
    %and3A_18 = arith.andi %and3A, %lt3A_17 : i1
    %convert_element_type3A_19 = arith.extui %and3A_18 : i1 to i32
    %cond3A_20 = arith.constant 0 : i32
    %cond3A_21 = arith.cmpi ne, %convert_element_type3A_19, %cond3A_20 : i32
    scf.if %cond3A_21 {
      %dma_wait3A = arith.constant 1 : i32
      %dma_wait3A_29 = arith.constant 1 : i32
      %dma_wait3A_30 = arith.constant 0 : i32
      %dma_wait3A_31 = arith.constant 0 : i32
      %dma_wait3A_32 = arith.constant 0 : i32
      %dma_wait3A_33 = tpu.memref_slice %arg7[%dma_wait3A, %dma_wait3A_31, %dma_wait3A_32] : memref<2x640x64xf32, #tpu.memory_space<vmem>> -> memref<1x128x64xf32, #tpu.memory_space<vmem>>
      %dma_wait3A_34 = tpu.memref_squeeze %dma_wait3A_33 : memref<1x128x64xf32, #tpu.memory_space<vmem>> -> memref<128x64xf32, #tpu.memory_space<vmem>>
      %dma_wait3A_35 = arith.constant 0 : i32
      %dma_wait3A_36 = tpu.memref_slice %arg8[%dma_wait3A_29, %dma_wait3A_30, %dma_wait3A_35] : memref<2x5x128xi32, #tpu.memory_space<vmem>> -> memref<1x1x128xi32, #tpu.memory_space<vmem>>
      %dma_wait3A_37 = tpu.memref_squeeze %dma_wait3A_36 : memref<1x1x128xi32, #tpu.memory_space<vmem>> -> memref<128xi32, #tpu.memory_space<vmem>>
      %dma_wait3A_38 = arith.constant 0 : i32
      %dma_wait3A_39 = arith.constant 0 : i32
      %dma_wait3A_40 = tpu.memref_slice %arg6[%dma_wait3A_38, %dma_wait3A_39] : memref<10000x64xf32, #tpu.memory_space<vmem_shared>> -> memref<10000x64xf32, #tpu.memory_space<vmem_shared>>
      tpu.wait_indirect_dma semaphore(%arg11 : memref<!tpu.dma_semaphore, #tpu.memory_space<semaphore_mem>>) src(%dma_wait3A_34 : memref<128x64xf32, #tpu.memory_space<vmem>>) dst(%dma_wait3A_40 : memref<10000x64xf32, #tpu.memory_space<vmem_shared>>)
      %dma_wait3A_41 = arith.constant 1 : i32
      %dma_wait3A_42 = arith.constant 1 : i32
      %dma_wait3A_43 = arith.constant 1 : i32
      %dma_wait3A_44 = arith.constant 128 : i32
      %dma_wait3A_45 = arith.constant 0 : i32
      %dma_wait3A_46 = tpu.memref_slice %arg7[%dma_wait3A_41, %dma_wait3A_44, %dma_wait3A_45] : memref<2x640x64xf32, #tpu.memory_space<vmem>> -> memref<1x128x64xf32, #tpu.memory_space<vmem>>
      %dma_wait3A_47 = tpu.memref_squeeze %dma_wait3A_46 : memref<1x128x64xf32, #tpu.memory_space<vmem>> -> memref<128x64xf32, #tpu.memory_space<vmem>>
      %dma_wait3A_48 = arith.constant 0 : i32
      %dma_wait3A_49 = tpu.memref_slice %arg8[%dma_wait3A_42, %dma_wait3A_43, %dma_wait3A_48] : memref<2x5x128xi32, #tpu.memory_space<vmem>> -> memref<1x1x128xi32, #tpu.memory_space<vmem>>
      %dma_wait3A_50 = tpu.memref_squeeze %dma_wait3A_49 : memref<1x1x128xi32, #tpu.memory_space<vmem>> -> memref<128xi32, #tpu.memory_space<vmem>>
      %dma_wait3A_51 = arith.constant 0 : i32
      %dma_wait3A_52 = arith.constant 0 : i32
      %dma_wait3A_53 = tpu.memref_slice %arg6[%dma_wait3A_51, %dma_wait3A_52] : memref<10000x64xf32, #tpu.memory_space<vmem_shared>> -> memref<10000x64xf32, #tpu.memory_space<vmem_shared>>
      tpu.wait_indirect_dma semaphore(%arg11 : memref<!tpu.dma_semaphore, #tpu.memory_space<semaphore_mem>>) src(%dma_wait3A_47 : memref<128x64xf32, #tpu.memory_space<vmem>>) dst(%dma_wait3A_53 : memref<10000x64xf32, #tpu.memory_space<vmem_shared>>)
      %dma_wait3A_54 = arith.constant 1 : i32
      %dma_wait3A_55 = arith.constant 1 : i32
      %dma_wait3A_56 = arith.constant 2 : i32
      %dma_wait3A_57 = arith.constant 256 : i32
      %dma_wait3A_58 = arith.constant 0 : i32
      %dma_wait3A_59 = tpu.memref_slice %arg7[%dma_wait3A_54, %dma_wait3A_57, %dma_wait3A_58] : memref<2x640x64xf32, #tpu.memory_space<vmem>> -> memref<1x128x64xf32, #tpu.memory_space<vmem>>
      %dma_wait3A_60 = tpu.memref_squeeze %dma_wait3A_59 : memref<1x128x64xf32, #tpu.memory_space<vmem>> -> memref<128x64xf32, #tpu.memory_space<vmem>>
      %dma_wait3A_61 = arith.constant 0 : i32
      %dma_wait3A_62 = tpu.memref_slice %arg8[%dma_wait3A_55, %dma_wait3A_56, %dma_wait3A_61] : memref<2x5x128xi32, #tpu.memory_space<vmem>> -> memref<1x1x128xi32, #tpu.memory_space<vmem>>
      %dma_wait3A_63 = tpu.memref_squeeze %dma_wait3A_62 : memref<1x1x128xi32, #tpu.memory_space<vmem>> -> memref<128xi32, #tpu.memory_space<vmem>>
      %dma_wait3A_64 = arith.constant 0 : i32
      %dma_wait3A_65 = arith.constant 0 : i32
      %dma_wait3A_66 = tpu.memref_slice %arg6[%dma_wait3A_64, %dma_wait3A_65] : memref<10000x64xf32, #tpu.memory_space<vmem_shared>> -> memref<10000x64xf32, #tpu.memory_space<vmem_shared>>
      tpu.wait_indirect_dma semaphore(%arg11 : memref<!tpu.dma_semaphore, #tpu.memory_space<semaphore_mem>>) src(%dma_wait3A_60 : memref<128x64xf32, #tpu.memory_space<vmem>>) dst(%dma_wait3A_66 : memref<10000x64xf32, #tpu.memory_space<vmem_shared>>)
      %dma_wait3A_67 = arith.constant 1 : i32
      %dma_wait3A_68 = arith.constant 1 : i32
      %dma_wait3A_69 = arith.constant 3 : i32
      %dma_wait3A_70 = arith.constant 384 : i32
      %dma_wait3A_71 = arith.constant 0 : i32
      %dma_wait3A_72 = tpu.memref_slice %arg7[%dma_wait3A_67, %dma_wait3A_70, %dma_wait3A_71] : memref<2x640x64xf32, #tpu.memory_space<vmem>> -> memref<1x128x64xf32, #tpu.memory_space<vmem>>
      %dma_wait3A_73 = tpu.memref_squeeze %dma_wait3A_72 : memref<1x128x64xf32, #tpu.memory_space<vmem>> -> memref<128x64xf32, #tpu.memory_space<vmem>>
      %dma_wait3A_74 = arith.constant 0 : i32
      %dma_wait3A_75 = tpu.memref_slice %arg8[%dma_wait3A_68, %dma_wait3A_69, %dma_wait3A_74] : memref<2x5x128xi32, #tpu.memory_space<vmem>> -> memref<1x1x128xi32, #tpu.memory_space<vmem>>
      %dma_wait3A_76 = tpu.memref_squeeze %dma_wait3A_75 : memref<1x1x128xi32, #tpu.memory_space<vmem>> -> memref<128xi32, #tpu.memory_space<vmem>>
      %dma_wait3A_77 = arith.constant 0 : i32
      %dma_wait3A_78 = arith.constant 0 : i32
      %dma_wait3A_79 = tpu.memref_slice %arg6[%dma_wait3A_77, %dma_wait3A_78] : memref<10000x64xf32, #tpu.memory_space<vmem_shared>> -> memref<10000x64xf32, #tpu.memory_space<vmem_shared>>
      tpu.wait_indirect_dma semaphore(%arg11 : memref<!tpu.dma_semaphore, #tpu.memory_space<semaphore_mem>>) src(%dma_wait3A_73 : memref<128x64xf32, #tpu.memory_space<vmem>>) dst(%dma_wait3A_79 : memref<10000x64xf32, #tpu.memory_space<vmem_shared>>)
      %dma_wait3A_80 = arith.constant 1 : i32
      %dma_wait3A_81 = arith.constant 1 : i32
      %dma_wait3A_82 = arith.constant 4 : i32
      %dma_wait3A_83 = arith.constant 512 : i32
      %dma_wait3A_84 = arith.constant 0 : i32
      %dma_wait3A_85 = tpu.memref_slice %arg7[%dma_wait3A_80, %dma_wait3A_83, %dma_wait3A_84] : memref<2x640x64xf32, #tpu.memory_space<vmem>> -> memref<1x128x64xf32, #tpu.memory_space<vmem>>
      %dma_wait3A_86 = tpu.memref_squeeze %dma_wait3A_85 : memref<1x128x64xf32, #tpu.memory_space<vmem>> -> memref<128x64xf32, #tpu.memory_space<vmem>>
      %dma_wait3A_87 = arith.constant 0 : i32
      %dma_wait3A_88 = tpu.memref_slice %arg8[%dma_wait3A_81, %dma_wait3A_82, %dma_wait3A_87] : memref<2x5x128xi32, #tpu.memory_space<vmem>> -> memref<1x1x128xi32, #tpu.memory_space<vmem>>
      %dma_wait3A_89 = tpu.memref_squeeze %dma_wait3A_88 : memref<1x1x128xi32, #tpu.memory_space<vmem>> -> memref<128xi32, #tpu.memory_space<vmem>>
      %dma_wait3A_90 = arith.constant 0 : i32
      %dma_wait3A_91 = arith.constant 0 : i32
      %dma_wait3A_92 = tpu.memref_slice %arg6[%dma_wait3A_90, %dma_wait3A_91] : memref<10000x64xf32, #tpu.memory_space<vmem_shared>> -> memref<10000x64xf32, #tpu.memory_space<vmem_shared>>
      tpu.wait_indirect_dma semaphore(%arg11 : memref<!tpu.dma_semaphore, #tpu.memory_space<semaphore_mem>>) src(%dma_wait3A_86 : memref<128x64xf32, #tpu.memory_space<vmem>>) dst(%dma_wait3A_92 : memref<10000x64xf32, #tpu.memory_space<vmem_shared>>)
    } else {
    }
    %barrier3A_22 = arith.constant 0 : index
    tpu.barrier barrier_id(%barrier3A_22)
    %mul3A_23 = arith.constant 625 : i32
    %mul3A_24 = arith.muli %arg1, %mul3A_23 : i32
    %mul3A_25 = arith.constant 625 : i32
    %mul3A_26 = arith.muli %arg1, %mul3A_25 : i32
    %mul3A_27 = arith.constant 64 : i32
    %mul3A_28 = arith.muli %arg0, %mul3A_27 : i32
    "tpu.region"() ({
      %run_scoped3A = tpu.sem_alloc : memref<!tpu.dma_semaphore, #tpu.memory_space<semaphore_mem>>
      %dma_start3A = tpu.memref_slice %arg5[%mul3A_26, %mul3A_28] : memref<10000x128xf32, #tpu.memory_space<hbm>> -> memref<625x64xf32, #tpu.memory_space<hbm>>
      %dma_start3A_29 = arith.constant 0 : i32
      %dma_start3A_30 = tpu.memref_slice %arg6[%mul3A_24, %dma_start3A_29] : memref<10000x64xf32, #tpu.memory_space<vmem_shared>> -> memref<625x64xf32, #tpu.memory_space<vmem_shared>>
      tpu.enqueue_dma source(%dma_start3A_30 : memref<625x64xf32, #tpu.memory_space<vmem_shared>>) target(%dma_start3A : memref<625x64xf32, #tpu.memory_space<hbm>>) target_semaphore(%run_scoped3A : memref<!tpu.dma_semaphore, #tpu.memory_space<semaphore_mem>>)
      %dma_wait3A = tpu.memref_slice %arg5[%mul3A_26, %mul3A_28] : memref<10000x128xf32, #tpu.memory_space<hbm>> -> memref<625x64xf32, #tpu.memory_space<hbm>>
      %dma_wait3A_31 = arith.constant 0 : i32
      %dma_wait3A_32 = tpu.memref_slice %arg6[%mul3A_24, %dma_wait3A_31] : memref<10000x64xf32, #tpu.memory_space<vmem_shared>> -> memref<625x64xf32, #tpu.memory_space<vmem_shared>>
      tpu.wait_dma2 semaphore(%run_scoped3A : memref<!tpu.dma_semaphore, #tpu.memory_space<semaphore_mem>>) src(%dma_wait3A_32 : memref<625x64xf32, #tpu.memory_space<vmem_shared>>) dst(%dma_wait3A : memref<625x64xf32, #tpu.memory_space<hbm>>)
      tpu.yield
    }) : () -> ()
    return
  }
}

</mosaic_0001>

<sc_bundles>
// kernel: kernel.3.cloned.1.call-start
scs
__scs_entry_jumppad:
0x0: {  	(pc) =	sbr.rel $0x88, $3  }
0x1: {  	(tag) =	ssettag $0x0;
	lr =	simm.s32 $0x1  }
0x2: {  	[smem:$0x3F9F] =	sst lr;
	_ =	strace $0xD0000000  }
0x3: {  	_ = 	snop  }
0x4: {  	_ = 	snop  }
0x5: {  	_ = 	snop  }
0x6: {  	_ = 	snop  }
0x7: {  	_ = 	snop  }
__scs_overlays_trampoline_lowered:
0x8: {  	[smem:$0x3FAE] =	sst s0  }
0x9: {  	[smem:$0x3FAF] =	sst s1  }
0xa: {  	[smem:$0x3FB0] =	sst s2  }
0xb: {  	[smem:$0x3FB1] =	sst s3  }
0xc: {  	[smem:$0x3FB2] =	sst s4  }
0xd: {  	[smem:$0x3FB3] =	sst s5  }
0xe: {  	[smem:$0x3FB4] =	sst s6  }
0xf: {  	[smem:$0x3FB5] =	sst s7  }
0x10: {  	[smem:$0x3FB6] =	sst s8  }
0x11: {  	[smem:$0x3FB7] =	sst s9;
	s0 =	simm.s32 @!p0 $0x0  }
0x12: {  	s1 =	sld [smem:$0x3F9D];
	s0 =	simm.s32 @p0 $0x1  }
0x13: {  	[smem:$0x3FB8] =	sst s0;
	s0 =	simm.s32 @!p1 $0x0  }
0x14: {  	s2 =	sld [smem:$0x3F9C];
	s0 =	simm.s32 @p1 $0x1  }
0x15: {  	[smem:$0x3FB9] =	sst s0;
	s0 =	simm.s32 @!p2 $0x0  }
0x16: {  	s3 =	sld [smem:$0x3FDB];
	s0 =	simm.s32 @p2 $0x1  }
0x17: {  	s4 =	simm.s32 $0x1BF5;
	[smem:$0x3FBB] =	sst s0  }
0x18: {  	s0 =	sld [smem:$0x3F9E];
	_ =	swait.ge [sflag:s4], $0x0  }
0x19: {  	s7 =	sld [smem:$0x3F9F]  }
0x1a: {  	s8 =	sadd.s32 $0xFFFFE003, lr  }
0x1b: {  	s9 =	sadd.s32 $0xFFFFFEF7, lr;
	s5 =	simm.s32 $0xFFFFFFFF;
	p2 =	slt.u32 s8, $0xFFFFF086  }
0x1c: {  	p1 =	slt.u32 s9, $0xF7A;
	s5 =	simm.s32 @!p2 $0x0  }
0x1d: {  	s5 =	simm.s32 @p1 $0x1;
	p0 =	seq.s32 s7, s2  }
0x1e: {  	s7 =	smul.u32 @!p0 $0xF7A, s2;
	p2 =	seq.s32 @!p0 s5, $0x0  }
0x1f: {  	s9 =	smul.u32 $0xF7A, s1;
	s8 =	simm.s32 @!p0 $0x1BF5;
	p2 =	por !p2, p0  }
0x20: {  	[sflag:s8] =	ssyncset.s32 @!p0 $0xFFFFF086;
	s6 =	sadd.s32 @!p0 s3, s7;
	s7 =	simm.s32 @!p0 $0x108  }
0x21: {  	s3 =	sadd.s32 s3, s9;
	s6 =	sadd.s32 @!p0 $0x88, s6;
	s7 =	simm.s32 @p2 $0x1082  }
0x22: {  	[simem:s7], [sflag:s8] =	dma.local @!p0 [hbm:s6], $0xF7A  }
0x23: {  	s9 =	sor.u32 $0xD0000000, s2;
	s6 =	simm.s32 $0x108;
	_ =	swait.ge @!p0 [sflag:s8], $0x0  }
0x24: {  	s3 =	sadd.s32 $0x88, s3;
	s6 =	simm.s32 @!p1 $0x1082;
	[sflag:s4] =	ssyncset.s32 $0xFFFFF086  }
0x25: {  	[simem:s6], [sflag:s4] =	dma.local [hbm:s3], $0xF7A  }
0x26: {  	[smem:$0x3F9F] =	sst s1;
	(tag) =	ssettag s2;
	_ =	strace s9  }
0x27: {  	s1 =	sld [smem:$0x3FAF]  }
0x28: {  	s2 =	sld [smem:$0x3FB0]  }
0x29: {  	s4 =	sld [smem:$0x3FB2]  }
0x2a: {  	p0 =	seq.s32 s5, $0x0;
	s5 =	sld [smem:$0x3FB3]  }
0x2b: {  	s6 =	sld [smem:$0x3FB4]  }
0x2c: {  	s7 =	sld [smem:$0x3FB5]  }
0x2d: {  	s3 =	simm.s32 $0x108;
	s8 =	sld [smem:$0x3FB6]  }
0x2e: {  	s3 =	simm.s32 @!p0 $0x1082;
	s9 =	sld [smem:$0x3FB7]  }
0x2f: {  	lr =	sadd.s32 s0, s3;
	s0 =	sld [smem:$0x3FAE]  }
0x30: {  	s3 =	sld [smem:$0x3FB1]  }
0x31: {  	[smem:$0x3FBA] =	sst s10  }
0x32: {  	s10 =	sld [smem:$0x3FB8];
	_ =	sdelay $0x3  }
0x33: {  	p0 =	seq.s32 s10, $0x1;
	s10 =	sld [smem:$0x3FBA];
	_ =	sdelay $0x3  }
0x34: {  	[smem:$0x3FBA] =	sst s10  }
0x35: {  	s10 =	sld [smem:$0x3FB9];
	_ =	sdelay $0x3  }
0x36: {  	p1 =	seq.s32 s10, $0x1;
	s10 =	sld [smem:$0x3FBA];
	_ =	sdelay $0x3  }
0x37: {  	[smem:$0x3FBA] =	sst s10  }
0x38: {  	s10 =	sld [smem:$0x3FBB]  }
0x39: {  	_ = 	snop;
	(pc) =	sbr.ind lr, $3  }
0x3a: {  	_ = 	snop  }
0x3b: {  	_ = 	snop  }
0x3c: {  	p2 =	seq.s32 s10, $0x1;
	s10 =	sld [smem:$0x3FBA]  }
0x3d: {  	_ =	shalt  }
0x3e: {  	_ =	shalt  }
0x3f: {  	_ =	shalt  }
0x40: {  	_ =	shalt  }
0x41: {  	_ =	shalt  }
0x42: {  	_ =	shalt  }
0x43: {  	_ =	shalt  }
0x44: {  	_ =	shalt  }
0x45: {  	_ =	shalt  }
0x46: {  	_ =	shalt  }
0x47: {  	_ =	shalt  }
0x48: {  	_ =	shalt  }
0x49: {  	_ =	shalt  }
0x4a: {  	_ =	shalt  }
0x4b: {  	_ =	shalt  }
0x4c: {  	_ =	shalt  }
0x4d: {  	_ =	shalt  }
0x4e: {  	_ =	shalt  }
0x4f: {  	_ =	shalt  }
0x50: {  	_ =	shalt  }
0x51: {  	_ =	shalt  }
0x52: {  	_ =	shalt  }
0x53: {  	_ =	shalt  }
0x54: {  	_ =	shalt  }
0x55: {  	_ =	shalt  }
0x56: {  	_ =	shalt  }
0x57: {  	_ =	shalt  }
0x58: {  	_ =	shalt  }
0x59: {  	_ =	shalt  }
0x5a: {  	_ =	shalt  }
0x5b: {  	_ =	shalt  }
0x5c: {  	_ =	shalt  }
0x5d: {  	_ =	shalt  }
0x5e: {  	_ =	shalt  }
0x5f: {  	_ =	shalt  }
0x60: {  	_ =	shalt  }
0x61: {  	_ =	shalt  }
0x62: {  	_ =	shalt  }
0x63: {  	_ =	shalt  }
0x64: {  	_ =	shalt  }
0x65: {  	_ =	shalt  }
0x66: {  	_ =	shalt  }
0x67: {  	_ =	shalt  }
0x68: {  	_ =	shalt  }
0x69: {  	_ =	shalt  }
0x6a: {  	_ =	shalt  }
0x6b: {  	_ =	shalt  }
0x6c: {  	_ =	shalt  }
0x6d: {  	_ =	shalt  }
0x6e: {  	_ =	shalt  }
0x6f: {  	_ =	shalt  }
0x70: {  	_ =	shalt  }
0x71: {  	_ =	shalt  }
0x72: {  	_ =	shalt  }
0x73: {  	_ =	shalt  }
0x74: {  	_ =	shalt  }
0x75: {  	_ =	shalt  }
0x76: {  	_ =	shalt  }
0x77: {  	_ =	shalt  }
0x78: {  	_ =	shalt  }
0x79: {  	_ =	shalt  }
0x7a: {  	_ =	shalt  }
0x7b: {  	_ =	shalt  }
0x7c: {  	_ =	shalt  }
0x7d: {  	_ =	shalt  }
0x7e: {  	_ =	shalt  }
0x7f: {  	_ =	shalt  }
0x80: {  	_ =	shalt  }
0x81: {  	_ =	shalt  }
0x82: {  	_ =	shalt  }
0x83: {  	_ =	shalt  }
0x84: {  	_ =	shalt  }
0x85: {  	_ =	shalt  }
0x86: {  	_ =	shalt  }
0x87: {  	_ =	shalt  }
.Lfunc_end0:
.L_simem_size_0:
called_computation_lowered:
.L_overlay_start_0:
0x88: {  	s2 =	sld [smem:$0x3FD9]  }
0x89: {  	s3 =	sld [smem:$0x3FFE];
	_ =	sdelay $0x1  }
0x8a: {  	s1 =	srdreg.scid  }
0x8b: {  	s0 =	sand.u32 $0x1, s1  }
0x8c: {  	s17 =	sshll.u32 s0, $0xA;
	s2 =	sadd.s32 s3, s2  }
0x8d: {  	s2 =	sadd.s32 s2, s17  }
0x8e: {  	[smem:$0x3FC6] =	sst s2  }
0x8f: {  	_ = 	snop  }
0x90: {  	s2 =	sld [smem:$0x3FC9]  }
0x91: {  	s18 =	sld [smem:$0x3FC8]  }
0x92: {  	s4 =	sld [smem:$0x3FD0];
	(tm) =	ssettm $0x1  }
0x93: {  	s5 =	sld [smem:$0x3FFB];
	_ =	sdelay $0x3  }
0x94: {  	_ =	strace s5  }
0x95: {  	s5 =	sld [smem:$0x3FFC];
	_ =	sdelay $0x3  }
0x96: {  	_ =	strace s5  }
0x97: {  	s5 =	sld [smem:$0x3FFD];
	_ =	sdelay $0x3  }
0x98: {  	_ =	strace s5  }
0x99: {  	_ =	strace $0x8FFFFFFF  }
0x9a: {  	s19 =	sld [smem:$0x3FDB];
	_ =	sdelay $0x1  }
0x9b: {  	s6 =	simm.s32 $_scs_section_size  }
0x9c: {  	s7 =	simm.s32 $_size__tile_overlayer_lowered;
	s8 =	simm.s32 $_tile_overlayer_lowered  }
0x9d: {  	s22 =	simm.s32 $0x1BFF;
	s21 =	sshll.u32 s8, $0x1;
	s5 =	sadd.s32 s6, s19  }
0x9e: {  	s9 =	simm.s32 $0x0;
	s20 =	sshll.u32 s7, $0x1;
	s7 =	sadd.s32 s21, s5  }
0x9f: {  	[timem:s9], [sflag:s22] =	dma.local [hbm:s7], s20  }
0xa0: {  	_ =	swait.ge [sflag:s22], s20  }
0xa1: {  	s6 =	ssub.s32 $0x0, s20;
	[sflag:s22] =	ssyncset.done $0x0  }
0xa2: {  	[sflag:s22] =	ssyncadd.s32 s6;
	_ =	sdelay $0x1  }
0xa3: {  	s23 =	simm.s32 $0x1B8B  }
0xa4: {  	_ =	swait.ge [sflag:s23], $0x1  }
0xa5: {  	[sflag:s23] =	ssyncset.done $0x0  }
0xa6: {  	s25 =	simm.s32 $0x1B8E;
	s24 =	sld [smem:$0x3FFE];
	[sflag:s23] =	ssyncadd.s32 $0xFFFFFFFF  }
0xa7: {  	s26 =	simm.s32 $execute0_lowered;
	[smem:$0x3FD2] =	sst s25  }
0xa8: {  	s7 =	sshll.u32 s26, $0x1;
	_ =	strace $0x80000046;
	[dreg:$0x1] =	wrdreg $0xFFFFFFFF  }
0xa9: {  	s28 =	simm.s32 $_size_execute0_lowered;
	s5 =	sadd.s32 s5, s7;
	[dreg:$0x0] =	wrdreg $0x0  }
0xaa: {  	s7 =	sshll.u32 s28, $0x1;
	[dreg:$0x2] =	wrdreg s5  }
0xab: {  	[dreg:$0x3] =	wrdreg s7  }
0xac: {  	[dreg:$0x4] =	wrdreg $0xC0  }
0xad: {  	_ =	task [dreg:s9], $0x5FFFF  }
0xae: {  	[dreg:$0x1] =	wrdreg $0xFFFFFFFF  }
0xaf: {  	[dreg:$0x0] =	wrdreg $0x60  }
0xb0: {  	[dreg:$0x2] =	wrdreg s2  }
0xb1: {  	[dreg:$0x3] =	wrdreg s18  }
0xb2: {  	[dreg:$0x4] =	wrdreg s24  }
0xb3: {  	[dreg:$0x5] =	wrdreg s4  }
0xb4: {  	[dreg:$0x6] =	wrdreg $0x0  }
0xb5: {  	[dreg:$0x7] =	wrdreg $0x9  }
0xb6: {  	_ =	task.clear_ibuf [dreg:s9], $0x8FFFF;
	_ =	strace $0x90000046  }
0xb7: {  	s29 =	simm.s32 $0x9;
	_ =	strace $0x80000048  }
0xb8: {  	_ =	swait.ge [sflag:s29], $0x1  }
0xb9: {  	[sflag:s29] =	ssyncadd.s32 $0xFFFFFFFF  }
0xba: {  	_ =	strace $0x90000048  }
0xbb: {  	_ =	sfence  }
0xbc: {  	s30 =	sld [smem:$0x0];
	_ =	sdelay $0x2  }
0xbd: {  	s31 =	sshll.u32 s1, $0xD;
	s1 =	sshrl.u32 s1, $0x2  }
0xbe: {  	s3 =	sand.u32 $0x4000, s31;
	s1 =	sadd.s32 s1, s30  }
0xbf: {  	s0 =	sor.u32 s3, s0;
	s1 =	sshll.u32 s1, $0x11  }
0xc0: {  	s0 =	sor.u32 s1, s0  }
0xc1: {  	s0 =	sadd.s32 $0x8F2B, s0  }
0xc2: {  	[sflag:s0] =	ssyncadd.remote.s32 $0x1  }
0xc3: {  	_ =	sfence.sel $0xFFFF  }
0xc4: {  	[dreg:$0x0] =	wrdreg $0xFFFFFFFF;
	(pc) =	sbr.abs _section_cstart, $3  }
0xc5: {  	[dreg:$0x1] =	wrdreg $0xFFFFFFFF  }
0xc6: {  	_ =	task.clear_ibuf [dreg:s9], $0x2FFFF;
	_ =	strace $0x9FFFFFFF  }
0xc7: {  	(tm) =	ssettm $0x7FFFFFFF  }
tec
execute0_lowered:
.L_overlay_start_1:
0x0: {  	(tag) =	ssettag $0x1  }
0x1: {  	s1 =	rddreg [dreg:$0x0]  }
0x2: {  	s0 =	rddreg [dreg:$0x1]  }
0x3: {  	s4 =	rddreg [dreg:$0x2]  }
0x4: {  	s9 =	rddreg [dreg:$0x3]  }
0x5: {  	s2 =	rddreg [dreg:$0x4];
	s3 =	simm.s32 $0x0  }
0x6: {  	[smem:$0x7FF] =	sst s3;
	s4 =	sadd.s32 $0x400, s4  }
0x7: {  	s23 =	simm.s32 $0x1DCC0;
	_ =	strace $0x80000047;
	[dreg:$0xe] =	wrdreg s4  }
0x8: {  	s5 =	srdreg.scid;
	s24 =	simm.s32 $0xBC40;
	[dreg:$0x7] =	wrdreg s23  }
0x9: {  	s25 =	simm.s32 $0x1DD40;
	s26 =	simm.s32 $0xDC40;
	[dreg:$0x6] =	wrdreg s24  }
0xa: {  	s28 =	simm.s32 $0x1DDC0;
	s29 =	simm.s32 $0xFC40;
	[dreg:$0x9] =	wrdreg s25  }
0xb: {  	s30 =	simm.s32 $0x1DE40;
	s31 =	simm.s32 $0x11C40;
	[dreg:$0x8] =	wrdreg s26  }
0xc: {  	s3 =	stileid.u32;
	s6 =	sand.u32 $0x1, s5;
	[dreg:$0xb] =	wrdreg s28  }
0xd: {  	s13 =	ssub.s32 $0x2, s6;
	s7 =	smul.u32 $0x14000, s3;
	[dreg:$0xa] =	wrdreg s29  }
0xe: {  	s10 =	sshll.u32 s6, $0x6;
	s14 =	smul.u32 $0x27100, s3;
	[dreg:$0xd] =	wrdreg s30  }
0xf: {  	s15 =	smul.u32 $0x50, s3;
	s19 =	sshll.u32 s3, $0x6;
	[dreg:$0xc] =	wrdreg s31  }
0x10: {  	p0 =	sgt.u32 s3, $0x3;
	s24 =	simm.s32 $0x0;
	s8 =	sshrl.u32 s13, $0x1  }
0x11: {  	s6 =	sor.u32 $0x1C04, s19;
	s19 =	simm.s32 $0x4;
	s4 =	ssub.s32 s13, s8  }
0x12: {  	s11 =	sor.u32 s10, s7;
	s12 =	sshrl.u32 s14, $0x2;
	s13 =	smul.u32 $0x13880, s3  }
0x13: {  	s16 =	sadd.s32 s0, s15;
	s14 =	simm.s32 $0x1DC40;
	s7 =	sshrl.u32 s11, $0x3  }
0x14: {  	s18 =	sadd.s32 s12, s2;
	s20 =	sadd.s32 $0x140000, s11;
	s4 =	smax.u32 s4, $0x1  }
0x15: {  	[dreg:$0xf] =	wrdreg s16;
	s17 =	sadd.s32 s1, s7;
	s10 =	sor.u32 s10, s13  }
0x16: {  	s12 =	sshrl.u32 s20, $0x3;
	[dreg:$0x12] =	wrdreg s4;
	s13 =	sadd.s32 $0x280000, s11  }
0x17: {  	s18 =	sshrl.u32 s18, $0x3;
	s20 =	simm.s32 $0x1;
	[dreg:$0x10] =	wrdreg s17  }
0x18: {  	s10 =	sshrl.u32 s10, $0x3;
	s22 =	sadd.s32 s12, s1;
	s12 =	sadd.s32 $0x500, s16  }
0x19: {  	s16 =	simm.s32 $0x80;
	s21 =	sadd.s32 s9, s10;
	[dreg:$0x13] =	wrdreg s22  }
0x1a: {  	s17 =	simm.s32 $0x9C40;
	[dreg:$0x11] =	wrdreg s21;
	s21 =	simm.s32 $0x3  }
.LBB2_1:
0x1b: {  	s5 =	rddreg [dreg:$0xf]  }
0x1c: {  	s0 =	simm.s32 $0x0;
	s25 =	rddreg [dreg:$0x10]  }
0x1d: {  	[tilespmem:s14], [sflag:$0x1] =	stream.linear.gather [hbm4b:s5+s0], $0x280, $0x38;
	[tilespmem:$0x1E140] =	vst v63  }
0x1e: {  	s4 =	simm.s32 $0x40;
	s26 =	rddreg [dreg:$0xe]  }
0x1f: {  	[tilespmem:s17], [sflag:$0x1] =	stream.strided.gather [hbm4b:s25+s4], $0xA000, s16, s4, $0x38;
	[tilespmem:$0x1E140] =	vst v63  }
0x20: {  	[spmem:s18], [sflag:s6] =	dma.local [hbm:s26], $0x1388  }
0x21: {  	_ =	swait.ge [sflag:s19], $0x1388  }
0x22: {  	[sflag:s19] =	ssyncset.done $0x0  }
0x23: {  	p2 =	por $0x1, $0x1;
	[sflag:s19] =	ssyncadd.s32 $0xFFFFEC78  }
0x24: {  	s0 =	simm.s32 @!p2 $0x3;
	[bflag:$0x0] =	sbarrier.arrive $0xFFFF  }
0x25: {  	_ =	swait.ge @!p2 [sflag:s0], $0x2000  }
0x26: {  	[sflag:s0] =	ssyncset.done @!p2 $0x0  }
0x27: {  	[sflag:s0] =	ssyncadd.s32 @!p2 $0xFFFFE000  }
0x28: {  	_ =	swait.ge @!p2 [sflag:s0], $0x2000  }
0x29: {  	[sflag:s0] =	ssyncset.done @!p2 $0x0  }
0x2a: {  	[sflag:s0] =	ssyncadd.s32 @!p2 $0xFFFFE000  }
0x2b: {  	_ =	swait.ge @!p2 [sflag:s0], $0x2000  }
0x2c: {  	[sflag:s0] =	ssyncset.done @!p2 $0x0  }
0x2d: {  	[sflag:s0] =	ssyncadd.s32 @!p2 $0xFFFFE000  }
0x2e: {  	_ =	swait.ge @!p2 [sflag:s0], $0x2000  }
0x2f: {  	s22 =	sadd.s32 $0x0, s3;
	[sflag:s0] =	ssyncset.done @!p2 $0x0  }
0x30: {  	s11 =	sadd.s32 $0x10, s22;
	[sflag:s0] =	ssyncadd.s32 @!p2 $0xFFFFE000  }
0x31: {  	s30 =	simm.s32 $0x20;
	p1 =	sgt.u32 s11, $0x1F3;
	_ =	swait.ge @!p2 [sflag:s0], $0x2000  }
0x32: {  	s31 =	sadd.s32 $0xA00, s12;
	s11 =	simm.s32 @!p1 $0x0;
	[sflag:s0] =	ssyncset.done @!p2 $0x0  }
0x33: {  	s25 =	simm.s32 @!p1 $0x80;
	s26 =	simm.s32 @!p1 $0x1DEC0;
	[sflag:s0] =	ssyncadd.s32 @!p2 $0xFFFFE000  }
0x34: {  	[tilespmem:s26], [sflag:$0x2] =	stream.linear.gather @!p1 [hbm4b:s12+s11], $0x280, $0x38;
	[tilespmem:$0x1E140] =	vst v63  }
0x35: {  	s15 =	simm.s32 @!p1 $0x13C40;
	s0 =	simm.s32 @!p1 $0x40;
	s11 =	rddreg [dreg:$0x13]  }
0x36: {  	[tilespmem:s15], [sflag:$0x2] =	stream.strided.gather @!p1 [hbm4b:s11+s0], $0xA000, s25, s0, $0x38;
	[tilespmem:$0x1E140] =	vst v63  }
0x37: {  	s28 =	smov.u32 s12;
	s29 =	smov.u32 s13;
	_ =	swait.ge [sflag:s20], $0x280  }
0x38: {  	s4 =	smov.u32 s6;
	s0 =	sadd.s32 $0x280000, s13;
	[sflag:s20] =	ssyncset.done $0x0  }
.LBB2_2:
0x39: {  	[sflag:s20] =	ssyncadd.s32 $0xFFFFFD80  }
0x3a: {  	_ =	swait.ge [sflag:s20], $0xA000  }
0x3b: {  	s5 =	rddreg [dreg:$0x6]  }
0x3c: {  	s7 =	rddreg [dreg:$0x7]  }
0x3d: {  	[sflag:s20] =	ssyncset.done $0x0;
	s9 =	rddreg [dreg:$0x8]  }
0x3e: {  	s10 =	rddreg [dreg:$0xb];
	[sflag:s20] =	ssyncadd.s32 $0xFFFF6000  }
0x3f: {  	[spmem:s2] =	stream.indirect.scatter.add.f32 [tilespmem:s17], [sflag:$0x3], $0x40, s14, s16, $0xb8;
	[tilespmem:$0x1E140] =	vst v63  }
0x40: {  	s6 =	rddreg [dreg:$0x9]  }
0x41: {  	[spmem:s2] =	stream.indirect.scatter.add.f32 [tilespmem:s5], [sflag:$0x3], $0x40, s7, s16, $0xb8;
	[tilespmem:$0x1E140] =	vst v63  }
0x42: {  	s8 =	rddreg [dreg:$0xa]  }
0x43: {  	[spmem:s2] =	stream.indirect.scatter.add.f32 [tilespmem:s9], [sflag:$0x3], $0x40, s6, s16, $0xb8;
	[tilespmem:$0x1E140] =	vst v63  }
0x44: {  	s7 =	rddreg [dreg:$0xd]  }
0x45: {  	[spmem:s2] =	stream.indirect.scatter.add.f32 [tilespmem:s8], [sflag:$0x3], $0x40, s10, s16, $0xb8;
	[tilespmem:$0x1E140] =	vst v63  }
0x46: {  	s9 =	rddreg [dreg:$0xc]  }
0x47: {  	[spmem:s2] =	stream.indirect.scatter.add.f32 [tilespmem:s9], [sflag:$0x3], $0x40, s7, s16, $0xb8;
	[tilespmem:$0x1E140] =	vst v63  }
0x48: {  	_ =	swait.ge [sflag:s21], $0x2000  }
0x49: {  	[sflag:s21] =	ssyncset.done $0x0  }
0x4a: {  	[sflag:s21] =	ssyncadd.s32 $0xFFFFE000  }
0x4b: {  	_ =	swait.ge [sflag:s21], $0x2000  }
0x4c: {  	[sflag:s21] =	ssyncset.done $0x0  }
0x4d: {  	[sflag:s21] =	ssyncadd.s32 $0xFFFFE000  }
0x4e: {  	_ =	swait.ge [sflag:s21], $0x2000  }
0x4f: {  	[sflag:s21] =	ssyncset.done $0x0  }
0x50: {  	[sflag:s21] =	ssyncadd.s32 $0xFFFFE000  }
0x51: {  	_ =	swait.ge [sflag:s21], $0x2000  }
0x52: {  	s22 =	sadd.s32 $0x20, s22;
	[sflag:s21] =	ssyncset.done $0x0  }
0x53: {  	p3 =	sgt.u32 s22, $0x1F3;
	[sflag:s21] =	ssyncadd.s32 $0xFFFFE000  }
0x54: {  	s22 =	simm.s32 @!p3 $0x9C40;
	s5 =	simm.s32 @!p3 $0x0;
	_ =	swait.ge [sflag:s21], $0x2000  }
0x55: {  	s6 =	simm.s32 @!p3 $0x1DC40;
	s8 =	sshrl.u32 @!p3 s29, $0x3;
	[sflag:s21] =	ssyncset.done $0x0  }
0x56: {  	s10 =	simm.s32 @!p3 $0x80;
	s7 =	sadd.s32 @!p3 $0x500, s28;
	[sflag:s21] =	ssyncadd.s32 $0xFFFFE000  }
0x57: {  	[tilespmem:s6], [sflag:$0x1] =	stream.linear.gather @!p3 [hbm4b:s7+s5], $0x280, $0x38;
	[tilespmem:$0x1E140] =	vst v63  }
0x58: {  	s8 =	sadd.s32 @!p3 s1, s8;
	s9 =	simm.s32 @!p3 $0x40;
	s5 =	simm.s32 @!p1 $0x2  }
0x59: {  	[tilespmem:s22], [sflag:$0x1] =	stream.strided.gather @!p3 [hbm4b:s8+s9], $0xA000, s10, s9, $0x38;
	[tilespmem:$0x1E140] =	vst v63  }
0x5a: {  	_ =	swait.ge @!p1 [sflag:s5], $0x280  }
0x5b: {  	[sflag:s5] =	ssyncset.done @!p1 $0x0  }
0x5c: {  	[sflag:s5] =	ssyncadd.s32 @!p1 $0xFFFFFD80  }
0x5d: {  	_ =	swait.ge @!p1 [sflag:s5], $0xA000  }
0x5e: {  	[sflag:s5] =	ssyncset.done @!p1 $0x0  }
0x5f: {  	[sflag:s5] =	ssyncadd.s32 @!p1 $0xFFFF6000  }
0x60: {  	[spmem:s2] =	stream.indirect.scatter.add.f32 @!p1 [tilespmem:s15], [sflag:$0x3], $0x40, s26, s25, $0xb8;
	[tilespmem:$0x1E140] =	vst v63  }
0x61: {  	s6 =	simm.s32 @!p1 $0x15C40;
	s5 =	simm.s32 @!p1 $0x1DF40  }
0x62: {  	[spmem:s2] =	stream.indirect.scatter.add.f32 @!p1 [tilespmem:s6], [sflag:$0x3], $0x40, s5, s25, $0xb8;
	[tilespmem:$0x1E140] =	vst v63  }
0x63: {  	s23 =	smov.u32 s30;
	s5 =	simm.s32 @!p1 $0x1DFC0;
	s6 =	simm.s32 @!p1 $0x17C40  }
0x64: {  	[spmem:s2] =	stream.indirect.scatter.add.f32 @!p1 [tilespmem:s6], [sflag:$0x3], $0x40, s5, s25, $0xb8;
	[tilespmem:$0x1E140] =	vst v63  }
0x65: {  	s7 =	simm.s32 @!p1 $0x19C40;
	p3 =	seq.s32 s23, $0x0;
	s6 =	simm.s32 @!p1 $0x1E040  }
0x66: {  	[spmem:s2] =	stream.indirect.scatter.add.f32 @!p1 [tilespmem:s7], [sflag:$0x3], $0x40, s6, s25, $0xb8;
	[tilespmem:$0x1E140] =	vst v63  }
0x67: {  	s8 =	simm.s32 @!p1 $0x1BC40;
	s6 =	simm.s32 @!p3 $0x3;
	s7 =	simm.s32 @!p1 $0x1E0C0  }
0x68: {  	[spmem:s2] =	stream.indirect.scatter.add.f32 @!p1 [tilespmem:s8], [sflag:$0x3], $0x40, s7, s25, $0xb8;
	[tilespmem:$0x1E140] =	vst v63  }
0x69: {  	_ =	swait.ge @!p3 [sflag:s6], $0x2000  }
0x6a: {  	[sflag:s6] =	ssyncset.done @!p3 $0x0  }
0x6b: {  	[sflag:s6] =	ssyncadd.s32 @!p3 $0xFFFFE000  }
0x6c: {  	_ =	swait.ge @!p3 [sflag:s6], $0x2000  }
0x6d: {  	[sflag:s6] =	ssyncset.done @!p3 $0x0  }
0x6e: {  	[sflag:s6] =	ssyncadd.s32 @!p3 $0xFFFFE000  }
0x6f: {  	_ =	swait.ge @!p3 [sflag:s6], $0x2000  }
0x70: {  	[sflag:s6] =	ssyncset.done @!p3 $0x0  }
0x71: {  	[sflag:s6] =	ssyncadd.s32 @!p3 $0xFFFFE000  }
0x72: {  	_ =	swait.ge @!p3 [sflag:s6], $0x2000  }
0x73: {  	[sflag:s6] =	ssyncset.done @!p3 $0x0  }
0x74: {  	s22 =	sadd.s32 s23, s3;
	[sflag:s6] =	ssyncadd.s32 @!p3 $0xFFFFE000  }
0x75: {  	s30 =	sadd.s32 $0x20, s30;
	s26 =	sadd.s32 $0x10, s22;
	_ =	swait.ge @!p3 [sflag:s6], $0x2000  }
0x76: {  	p2 =	sne.s32 s30, $0x200;
	p1 =	sgt.u32 s26, $0x1F3;
	[sflag:s6] =	ssyncset.done @!p3 $0x0  }
0x77: {  	s5 =	simm.s32 @!p1 $0x0;
	s26 =	simm.s32 @!p1 $0x1DEC0;
	[sflag:s6] =	ssyncadd.s32 @!p3 $0xFFFFE000  }
0x78: {  	[tilespmem:s26], [sflag:$0x2] =	stream.linear.gather @!p1 [hbm4b:s31+s5], $0x280, $0x38;
	[tilespmem:$0x1E140] =	vst v63  }
.Ltmp0:
0x79: {  	s11 =	sadd.s32 $0x50000, s11;
	(pc) =	sbr.rel @p2 .LBB2_2-.Ltmp0, $4  }
0x7a: {  	s7 =	simm.s32 @!p1 $0x40;
	s25 =	simm.s32 @!p1 $0x80;
	s15 =	simm.s32 @!p1 $0x13C40  }
0x7b: {  	[tilespmem:s15], [sflag:$0x2] =	stream.strided.gather @!p1 [hbm4b:s11+s7], $0xA000, s25, s7, $0x38;
	[tilespmem:$0x1E140] =	vst v63  }
0x7c: {  	s29 =	smov.u32 s0;
	s0 =	sadd.s32 $0x280000, s0;
	_ =	swait.ge [sflag:s20], $0x280  }
0x7d: {  	s28 =	smov.u32 s31;
	s31 =	sadd.s32 $0xA00, s31;
	[sflag:s20] =	ssyncset.done $0x0  }
0x7e: {  	[sflag:s20] =	ssyncadd.s32 $0xFFFFFD80  }
0x7f: {  	_ =	swait.ge [sflag:s20], $0xA000  }
0x80: {  	s0 =	rddreg [dreg:$0x6]  }
0x81: {  	s5 =	rddreg [dreg:$0x7]  }
0x82: {  	[sflag:s20] =	ssyncset.done $0x0;
	s6 =	rddreg [dreg:$0x8]  }
0x83: {  	s7 =	rddreg [dreg:$0x9];
	[sflag:s20] =	ssyncadd.s32 $0xFFFF6000  }
0x84: {  	[spmem:s2] =	stream.indirect.scatter.add.f32 [tilespmem:s17], [sflag:$0x3], $0x40, s14, s16, $0xb8;
	[tilespmem:$0x1E140] =	vst v63  }
0x85: {  	s8 =	rddreg [dreg:$0xb]  }
0x86: {  	[spmem:s2] =	stream.indirect.scatter.add.f32 [tilespmem:s0], [sflag:$0x3], $0x40, s5, s16, $0xb8;
	[tilespmem:$0x1E140] =	vst v63  }
0x87: {  	s9 =	rddreg [dreg:$0xa]  }
0x88: {  	[spmem:s2] =	stream.indirect.scatter.add.f32 [tilespmem:s6], [sflag:$0x3], $0x40, s7, s16, $0xb8;
	[tilespmem:$0x1E140] =	vst v63  }
0x89: {  	s10 =	rddreg [dreg:$0xd]  }
0x8a: {  	[spmem:s2] =	stream.indirect.scatter.add.f32 [tilespmem:s9], [sflag:$0x3], $0x40, s8, s16, $0xb8;
	[tilespmem:$0x1E140] =	vst v63  }
0x8b: {  	s11 =	rddreg [dreg:$0xc]  }
0x8c: {  	[spmem:s2] =	stream.indirect.scatter.add.f32 [tilespmem:s11], [sflag:$0x3], $0x40, s10, s16, $0xb8;
	[tilespmem:$0x1E140] =	vst v63  }
0x8d: {  	_ =	swait.ge [sflag:s21], $0x2000  }
0x8e: {  	[sflag:s21] =	ssyncset.done $0x0  }
0x8f: {  	[sflag:s21] =	ssyncadd.s32 $0xFFFFE000  }
0x90: {  	_ =	swait.ge [sflag:s21], $0x2000  }
0x91: {  	[sflag:s21] =	ssyncset.done $0x0  }
0x92: {  	[sflag:s21] =	ssyncadd.s32 $0xFFFFE000  }
0x93: {  	_ =	swait.ge [sflag:s21], $0x2000  }
0x94: {  	[sflag:s21] =	ssyncset.done $0x0  }
0x95: {  	[sflag:s21] =	ssyncadd.s32 $0xFFFFE000  }
0x96: {  	_ =	swait.ge [sflag:s21], $0x2000  }
0x97: {  	s23 =	sadd.s32 $0x20, s22;
	[sflag:s21] =	ssyncset.done $0x0  }
0x98: {  	p2 =	sgt.u32 s23, $0x1F3;
	[sflag:s21] =	ssyncadd.s32 $0xFFFFE000  }
0x99: {  	s0 =	simm.s32 @!p2 $0x0;
	_ =	swait.ge [sflag:s21], $0x2000  }
0x9a: {  	s5 =	simm.s32 @!p2 $0x1DC40;
	s6 =	sshrl.u32 @!p2 s29, $0x3;
	[sflag:s21] =	ssyncset.done $0x0  }
0x9b: {  	s7 =	sadd.s32 @!p2 $0x500, s28;
	s6 =	sadd.s32 @!p2 s1, s6;
	[sflag:s21] =	ssyncadd.s32 $0xFFFFE000  }
0x9c: {  	[tilespmem:s5], [sflag:$0x1] =	stream.linear.gather @!p2 [hbm4b:s7+s0], $0x280, $0x38;
	[tilespmem:$0x1E140] =	vst v63  }
0x9d: {  	s0 =	simm.s32 @!p2 $0x40;
	s5 =	simm.s32 @!p2 $0x80;
	s7 =	simm.s32 @!p2 $0x9C40  }
0x9e: {  	[tilespmem:s7], [sflag:$0x1] =	stream.strided.gather @!p2 [hbm4b:s6+s0], $0xA000, s5, s0, $0x38;
	[tilespmem:$0x1E140] =	vst v63  }
0x9f: {  	s0 =	simm.s32 @!p1 $0x2  }
0xa0: {  	_ =	swait.ge @!p1 [sflag:s0], $0x280  }
0xa1: {  	[sflag:s0] =	ssyncset.done @!p1 $0x0  }
0xa2: {  	[sflag:s0] =	ssyncadd.s32 @!p1 $0xFFFFFD80  }
0xa3: {  	_ =	swait.ge @!p1 [sflag:s0], $0xA000  }
0xa4: {  	[sflag:s0] =	ssyncset.done @!p1 $0x0  }
0xa5: {  	[sflag:s0] =	ssyncadd.s32 @!p1 $0xFFFF6000  }
0xa6: {  	[spmem:s2] =	stream.indirect.scatter.add.f32 @!p1 [tilespmem:s15], [sflag:$0x3], $0x40, s26, s25, $0xb8;
	[tilespmem:$0x1E140] =	vst v63  }
0xa7: {  	s5 =	simm.s32 @!p1 $0x15C40;
	s0 =	simm.s32 @!p1 $0x1DF40  }
0xa8: {  	[spmem:s2] =	stream.indirect.scatter.add.f32 @!p1 [tilespmem:s5], [sflag:$0x3], $0x40, s0, s25, $0xb8;
	[tilespmem:$0x1E140] =	vst v63  }
0xa9: {  	s0 =	simm.s32 @!p1 $0x1DFC0;
	s5 =	simm.s32 @!p1 $0x17C40  }
0xaa: {  	[spmem:s2] =	stream.indirect.scatter.add.f32 @!p1 [tilespmem:s5], [sflag:$0x3], $0x40, s0, s25, $0xb8;
	[tilespmem:$0x1E140] =	vst v63  }
0xab: {  	s0 =	simm.s32 @!p1 $0x19C40;
	s5 =	simm.s32 @!p1 $0x1E040  }
0xac: {  	[spmem:s2] =	stream.indirect.scatter.add.f32 @!p1 [tilespmem:s0], [sflag:$0x3], $0x40, s5, s25, $0xb8;
	[tilespmem:$0x1E140] =	vst v63  }
0xad: {  	s0 =	simm.s32 @!p1 $0x1E0C0;
	s5 =	simm.s32 @!p1 $0x1BC40  }
0xae: {  	[spmem:s2] =	stream.indirect.scatter.add.f32 @!p1 [tilespmem:s5], [sflag:$0x3], $0x40, s0, s25, $0xb8;
	[tilespmem:$0x1E140] =	vst v63  }
0xaf: {  	s0 =	simm.s32 @!p0 $0x3  }
0xb0: {  	_ =	swait.ge @!p0 [sflag:s0], $0x2000  }
0xb1: {  	[sflag:s0] =	ssyncset.done @!p0 $0x0  }
0xb2: {  	[sflag:s0] =	ssyncadd.s32 @!p0 $0xFFFFE000  }
0xb3: {  	_ =	swait.ge @!p0 [sflag:s0], $0x2000  }
0xb4: {  	[sflag:s0] =	ssyncset.done @!p0 $0x0  }
0xb5: {  	[sflag:s0] =	ssyncadd.s32 @!p0 $0xFFFFE000  }
0xb6: {  	_ =	swait.ge @!p0 [sflag:s0], $0x2000  }
0xb7: {  	[sflag:s0] =	ssyncset.done @!p0 $0x0  }
0xb8: {  	[sflag:s0] =	ssyncadd.s32 @!p0 $0xFFFFE000  }
0xb9: {  	_ =	swait.ge @!p0 [sflag:s0], $0x2000  }
0xba: {  	[sflag:s0] =	ssyncset.done @!p0 $0x0  }
0xbb: {  	[sflag:s0] =	ssyncadd.s32 @!p0 $0xFFFFE000  }
0xbc: {  	_ =	swait.ge @!p0 [sflag:s0], $0x2000  }
0xbd: {  	[sflag:s0] =	ssyncset.done @!p0 $0x0  }
0xbe: {  	[sflag:s0] =	ssyncadd.s32 @!p0 $0xFFFFE000  }
0xbf: {  	s30 =	simm.s32 $0x8;
	[bflag:$0x0] =	sbarrier.arrive $0xFFFF  }
0xc0: {  	s29 =	simm.s32 $0x10;
	s6 =	smov.u32 s4;
	s28 =	rddreg [dreg:$0x11]  }
0xc1: {  	[hbm:s28@s29], [sflag:s6] =	dma.strided [spmem:s18@s30], $0x1388, s20, $0x8   }
0xc2: {  	_ =	swait.ge [sflag:s19], $0x1388  }
0xc3: {  	s24 =	sadd.s32 $0x1, s24;
	s31 =	rddreg [dreg:$0x12]  }
0xc4: {  	p1 =	sne.s32 s24, s31  }
.Ltmp1:
0xc5: {  	_ = 	snop;
	(pc) =	sbr.rel @p1 .LBB2_1-.Ltmp1, $3  }
0xc6: {  	_ =	sdelay $0x1  }
0xc7: {  	[sflag:s19] =	ssyncset.done $0x0  }
0xc8: {  	[sflag:s19] =	ssyncadd.s32 $0xFFFFEC78  }
0xc9: {  	_ =	sfence.sel $0x180000  }
0xca: {  	[bflag:$0x0] =	sbarrier.arrive $0xFFFF  }
0xcb: {  	_ =	strace $0x90000047  }
0xcc: {  	[bflag:$0x2] =	sbarrier.arrive $0xFFFF  }
0xcd: {  	p0 =	sne.s32 s3, $0x0;
	s0 =	rddreg [dreg:$0x5]  }
0xce: {  	s0 =	sadd.s32 @!p0 $0x100000, s0  }
0xcf: {  	[sflag:s0] =	ssyncadd.tile.s32 @!p0 $0x1;
	_ =	shalt  }
.Lfunc_end2:
_tile_overlayer_lowered:
.L_overlay_start_2:
0xd0: {  	(tag) =	ssettag $0x2  }
0xd1: {  	s0 =	rddreg [dreg:$0x0];
	s2 =	stileid.u32  }
0xd2: {  	s1 =	rddreg [dreg:$0x1];
	p0 =	sne.s32 s2, $0x0  }
0xd3: {  	s3 =	rddreg [dreg:$0x2];
	[bflag:$0x3] =	sbarrier.arrive $0xFFFF;
	s2 =	simm.s32 @!p0 $0x1C04  }
0xd4: {  	[timem:s3], [sflag:s2] =	dma.local @!p0 [hbm:s0], s1  }
0xd5: {  	s0 =	simm.s32 @!p0 $0x4  }
0xd6: {  	_ =	swait.ge @!p0 [sflag:s0], s1  }
0xd7: {  	s1 =	ssub.s32 @!p0 $0x0, s1;
	[sflag:s0] =	ssyncset.done @!p0 $0x0  }
0xd8: {  	[sflag:s0] =	ssyncadd.s32 @!p0 s1  }
0xd9: {  	[bflag:$0x3] =	sbarrier.arrive $0xFFFF  }
0xda: {  	_ =	shalt  }

</sc_bundles>
